<compile_context>
chip_gen: v7x
topology: tpu7x:2x2x1
jax: 0.10.2.dev20260603
libtpu: 0.0.44.dev20260713+nightly
codegen_flags: <defaults>
</compile_context>

<pallas_src>
import functools

import jax
import jax.numpy as jnp
from jax import lax
from jax.experimental import pallas as pl
from jax.experimental.pallas import tpu as pltpu
from jax.experimental.pallas import tpu_sc as plsc

_L = 16
_EPS = 1e-12


def _shuffle(v, idx):
    return lax.gather(
        v, idx[:, None],
        dimension_numbers=lax.GatherDimensionNumbers(
            offset_dims=(), collapsed_slice_dims=(0,), start_index_map=(0,)),
        slice_sizes=(1,),
        mode=lax.GatherScatterMode.PROMISE_IN_BOUNDS)


def _lane_total(v):
    lane = lax.iota(jnp.int32, _L)
    for k in (8, 4, 2, 1):
        v = v + _shuffle(v, lane ^ k)
    return v


def _rsqrt(v):
    i = lax.bitcast_convert_type(v, jnp.int32)
    i = jnp.int32(0x5F3759DF) - lax.shift_right_logical(i, 1)
    y = lax.bitcast_convert_type(i, jnp.float32)
    for _ in range(3):
        y = y * (1.5 - 0.5 * v * y * y)
    return y


def kernel(inputs, token_table, pos_table, gamma, beta):
    B, S = inputs.shape
    V, H = token_table.shape
    nj = H // _L

    info = plsc.get_sparse_core_info()
    NC, NS = info.num_cores, info.num_subcores
    NW = NC * NS
    assert B % NW == 0 and S % 2 == 0 and H % _L == 0
    seq_per_w = B // NW
    half = S // 2

    idx2 = inputs.reshape(B, 2, half)
    mesh = plsc.VectorSubcoreMesh(core_axis_name="c", subcore_axis_name="s")

    @functools.partial(
        pl.kernel,
        mesh=mesh,
        out_type=jax.ShapeDtypeStruct((B, S, H), jnp.float32),
        compiler_params=pltpu.CompilerParams(use_tc_tiling_on_sc=False),
        scratch_types=[
            pltpu.VMEM((2, half), jnp.int32),
            pltpu.VMEM((S, H), jnp.float32),
            pltpu.VMEM((S, H), jnp.float32),
            pltpu.VMEM((H,), jnp.float32),
            pltpu.VMEM((H,), jnp.float32),
            pltpu.SemaphoreType.DMA,
        ],
    )
    def sc_kernel(idx_hbm, tok_hbm, pos_hbm, gamma_hbm, beta_hbm, out_hbm,
                  idx_v, buf, pos_v, g_v, b_v, sem):
        wid = lax.axis_index("s") * NC + lax.axis_index("c")

        pltpu.sync_copy(pos_hbm.at[pl.ds(0, S)], pos_v)
        pltpu.sync_copy(gamma_hbm, g_v)
        pltpu.sync_copy(beta_hbm, b_v)
        g = [g_v[pl.ds(_L * j, _L)] for j in range(nj)]
        bt = [b_v[pl.ds(_L * j, _L)] for j in range(nj)]

        def seq_body(i, carry):
            b = wid * seq_per_w + i
            pltpu.sync_copy(idx_hbm.at[b], idx_v)
            cp0 = pltpu.async_copy(tok_hbm.at[idx_v.at[0]],
                                   buf.at[pl.ds(0, half)], sem)
            cp1 = pltpu.async_copy(tok_hbm.at[idx_v.at[1]],
                                   buf.at[pl.ds(half, half)], sem)
            cp0.wait()
            cp1.wait()

            def row_body(s, c):
                x = [buf[s, pl.ds(_L * j, _L)] + pos_v[s, pl.ds(_L * j, _L)]
                     for j in range(nj)]
                tot = x[0]
                for j in range(1, nj):
                    tot = tot + x[j]
                mean = _lane_total(tot) * (1.0 / H)
                sq = x[0] * x[0]
                for j in range(1, nj):
                    sq = sq + x[j] * x[j]
                var = _lane_total(sq) * (1.0 / H) - mean * mean
                rstd = _rsqrt(var + _EPS)
                for j in range(nj):
                    buf[s, pl.ds(_L * j, _L)] = (x[j] - mean) * rstd * g[j] + bt[j]
                return c

            lax.fori_loop(0, S, row_body, 0)
            pltpu.sync_copy(buf, out_hbm.at[b])
            return carry

        lax.fori_loop(0, seq_per_w, seq_body, 0)

    return sc_kernel(idx2, token_table, pos_table, gamma, beta)

# --- scband reference (transcript-rebuilt; emitter-appended) ---
"""Pipeline reference for scband-embeddings-layer-46316927320444 (READ-ONLY COPY).

The authoritative reference and input builder live on the scoring server;
editing this copy changes nothing except your own understanding.
"""

import jax, jax.numpy as jnp
import numpy as np

VOCAB = 1000000
HID = 64
POS = 1000
B = 1024
S = 200


def setup_inputs(seed: int = 0) -> dict:
    key = jax.random.key(seed)
    k1, k2, k3 = jax.random.split(key, 3)
    inputs = jax.random.randint(k1, (B, S), 0, VOCAB, dtype=jnp.int32)
    token_table = jax.random.normal(k2, (VOCAB, HID), dtype=jnp.float32) * 0.02
    pos_table = jax.random.normal(k3, (POS, HID), dtype=jnp.float32) * 0.02
    gamma = jnp.ones((HID,), dtype=jnp.float32)
    beta = jnp.zeros((HID,), dtype=jnp.float32)
    return {"inputs": inputs, "token_table": token_table, "pos_table": pos_table, "gamma": gamma, "beta": beta}


def reference(inputs, token_table, pos_table, gamma, beta):
    seq_len = inputs.shape[1]
    position_ids = jnp.arange(seq_len)
    position_emb = jnp.take(pos_table, position_ids, axis=0)  # [S, HID]
    token_emb = jnp.take(token_table, inputs, axis=0)         # [B, S, HID]
    emb = token_emb + position_emb[None, :, :]
    mean = jnp.mean(emb, axis=-1, keepdims=True)
    var = jnp.var(emb, axis=-1, keepdims=True)
    norm = (emb - mean) / jnp.sqrt(var + 1e-12)
    out = norm * gamma + beta
    # Dropout is identity at inference time
    return out

if __name__ == "__main__":
    import jax
    _d = setup_inputs()
    print(jax.jit(kernel)(*tuple(_d.values())))

</pallas_src>

<mosaic_0001>
#map = affine_map<(d0, d1) -> (0, 0, 0)>
#map1 = affine_map<(d0, d1) -> (0, 0)>
#map2 = affine_map<(d0, d1) -> (0)>
module attributes {stable_mosaic.version = 14 : i64} {
  func.func @sc_kernel(%arg0: i32, %arg1: i32, %arg2: memref<1024x2x100xi32, #tpu.memory_space<hbm>>, %arg3: memref<1000000x64xf32, #tpu.memory_space<hbm>>, %arg4: memref<1000x64xf32, #tpu.memory_space<hbm>>, %arg5: memref<64xf32, #tpu.memory_space<hbm>>, %arg6: memref<64xf32, #tpu.memory_space<hbm>>, %arg7: memref<1024x200x64xf32, #tpu.memory_space<hbm>>, %arg8: memref<2x100xi32, #tpu.memory_space<vmem>>, %arg9: memref<200x64xf32, #tpu.memory_space<vmem>>, %arg10: memref<200x64xf32, #tpu.memory_space<vmem>>, %arg11: memref<64xf32, #tpu.memory_space<vmem>>, %arg12: memref<64xf32, #tpu.memory_space<vmem>>, %arg13: memref<!tpu.dma_semaphore, #tpu.memory_space<semaphore_mem>>) attributes {dimension_semantics = [#tpu.dimension_semantics<core_parallel>, #tpu.dimension_semantics<subcore_parallel>], iteration_bounds = array<i64: 2, 16>, scalar_prefetch = 0 : i64, scratch_operands = 6 : i64, tpu.core_type = #tpu.core_type<sc_vector_subcore>, window_params = [{transform_indices = #map}, {transform_indices = #map1}, {transform_indices = #map1}, {transform_indices = #map2}, {transform_indices = #map2}, {transform_indices = #map}]} {
    %mul3A = arith.constant 2 : i32
    %mul3A_0 = arith.muli %arg1, %mul3A : i32
    %add3A = arith.addi %mul3A_0, %arg0 : i32
    "tpu.region"() ({
      %run_scoped3A = tpu.sem_alloc : memref<!tpu.dma_semaphore, #tpu.memory_space<semaphore_mem>>
      %dma_start3A = arith.constant 0 : i32
      %dma_start3A_29 = arith.constant 0 : i32
      %dma_start3A_30 = tpu.memref_slice %arg4[%dma_start3A, %dma_start3A_29] : memref<1000x64xf32, #tpu.memory_space<hbm>> -> memref<200x64xf32, #tpu.memory_space<hbm>>
      %dma_start3A_31 = arith.constant 0 : i32
      %dma_start3A_32 = arith.constant 0 : i32
      %dma_start3A_33 = tpu.memref_slice %arg4[%dma_start3A_31, %dma_start3A_32] : memref<1000x64xf32, #tpu.memory_space<hbm>> -> memref<200x64xf32, #tpu.memory_space<hbm>>
      tpu.enqueue_dma source(%dma_start3A_33 : memref<200x64xf32, #tpu.memory_space<hbm>>) target(%arg10 : memref<200x64xf32, #tpu.memory_space<vmem>>) target_semaphore(%run_scoped3A : memref<!tpu.dma_semaphore, #tpu.memory_space<semaphore_mem>>)
      %dma_wait3A = arith.constant 0 : i32
      %dma_wait3A_34 = arith.constant 0 : i32
      %dma_wait3A_35 = tpu.memref_slice %arg4[%dma_wait3A, %dma_wait3A_34] : memref<1000x64xf32, #tpu.memory_space<hbm>> -> memref<200x64xf32, #tpu.memory_space<hbm>>
      %dma_wait3A_36 = arith.constant 0 : i32
      %dma_wait3A_37 = arith.constant 0 : i32
      %dma_wait3A_38 = tpu.memref_slice %arg4[%dma_wait3A_36, %dma_wait3A_37] : memref<1000x64xf32, #tpu.memory_space<hbm>> -> memref<200x64xf32, #tpu.memory_space<hbm>>
      tpu.wait_dma2 semaphore(%run_scoped3A : memref<!tpu.dma_semaphore, #tpu.memory_space<semaphore_mem>>) src(%dma_wait3A_38 : memref<200x64xf32, #tpu.memory_space<hbm>>) dst(%arg10 : memref<200x64xf32, #tpu.memory_space<vmem>>)
      tpu.yield
    }) : () -> ()
    "tpu.region"() ({
      %run_scoped3A = tpu.sem_alloc : memref<!tpu.dma_semaphore, #tpu.memory_space<semaphore_mem>>
      tpu.enqueue_dma source(%arg5 : memref<64xf32, #tpu.memory_space<hbm>>) target(%arg11 : memref<64xf32, #tpu.memory_space<vmem>>) target_semaphore(%run_scoped3A : memref<!tpu.dma_semaphore, #tpu.memory_space<semaphore_mem>>)
      tpu.wait_dma2 semaphore(%run_scoped3A : memref<!tpu.dma_semaphore, #tpu.memory_space<semaphore_mem>>) src(%arg5 : memref<64xf32, #tpu.memory_space<hbm>>) dst(%arg11 : memref<64xf32, #tpu.memory_space<vmem>>)
      tpu.yield
    }) : () -> ()
    "tpu.region"() ({
      %run_scoped3A = tpu.sem_alloc : memref<!tpu.dma_semaphore, #tpu.memory_space<semaphore_mem>>
      tpu.enqueue_dma source(%arg6 : memref<64xf32, #tpu.memory_space<hbm>>) target(%arg12 : memref<64xf32, #tpu.memory_space<vmem>>) target_semaphore(%run_scoped3A : memref<!tpu.dma_semaphore, #tpu.memory_space<semaphore_mem>>)
      tpu.wait_dma2 semaphore(%run_scoped3A : memref<!tpu.dma_semaphore, #tpu.memory_space<semaphore_mem>>) src(%arg6 : memref<64xf32, #tpu.memory_space<hbm>>) dst(%arg12 : memref<64xf32, #tpu.memory_space<vmem>>)
      tpu.yield
    }) : () -> ()
    %get3A = arith.constant 0 : index
    %get3A_1 = tpu.vector_load %arg11[%get3A] {strides = array<i32>} : memref<64xf32, #tpu.memory_space<vmem>>, vector<16xf32>,
    %get3A_2 = vector.shape_cast %get3A_1 : vector<16xf32> to vector<16xf32>
    %get3A_3 = arith.constant 16 : index
    %get3A_4 = tpu.vector_load %arg11[%get3A_3] {strides = array<i32>} : memref<64xf32, #tpu.memory_space<vmem>>, vector<16xf32>,
    %get3A_5 = vector.shape_cast %get3A_4 : vector<16xf32> to vector<16xf32>
    %get3A_6 = arith.constant 32 : index
    %get3A_7 = tpu.vector_load %arg11[%get3A_6] {strides = array<i32>} : memref<64xf32, #tpu.memory_space<vmem>>, vector<16xf32>,
    %get3A_8 = vector.shape_cast %get3A_7 : vector<16xf32> to vector<16xf32>
    %get3A_9 = arith.constant 48 : index
    %get3A_10 = tpu.vector_load %arg11[%get3A_9] {strides = array<i32>} : memref<64xf32, #tpu.memory_space<vmem>>, vector<16xf32>,
    %get3A_11 = vector.shape_cast %get3A_10 : vector<16xf32> to vector<16xf32>
    %get3A_12 = arith.constant 0 : index
    %get3A_13 = tpu.vector_load %arg12[%get3A_12] {strides = array<i32>} : memref<64xf32, #tpu.memory_space<vmem>>, vector<16xf32>,
    %get3A_14 = vector.shape_cast %get3A_13 : vector<16xf32> to vector<16xf32>
    %get3A_15 = arith.constant 16 : index
    %get3A_16 = tpu.vector_load %arg12[%get3A_15] {strides = array<i32>} : memref<64xf32, #tpu.memory_space<vmem>>, vector<16xf32>,
    %get3A_17 = vector.shape_cast %get3A_16 : vector<16xf32> to vector<16xf32>
    %get3A_18 = arith.constant 32 : index
    %get3A_19 = tpu.vector_load %arg12[%get3A_18] {strides = array<i32>} : memref<64xf32, #tpu.memory_space<vmem>>, vector<16xf32>,
    %get3A_20 = vector.shape_cast %get3A_19 : vector<16xf32> to vector<16xf32>
    %get3A_21 = arith.constant 48 : index
    %get3A_22 = tpu.vector_load %arg12[%get3A_21] {strides = array<i32>} : memref<64xf32, #tpu.memory_space<vmem>>, vector<16xf32>,
    %get3A_23 = vector.shape_cast %get3A_22 : vector<16xf32> to vector<16xf32>
    %scan3A = arith.constant 0 : i32
    %scan3A_24 = arith.constant 0 : i32
    %scan3A_25 = arith.constant 32 : i32
    %scan3A_26 = arith.addi %scan3A_24, %scan3A_25 : i32
    %scan3A_27 = arith.constant 1 : i32
    scf.for %scan3A_29 = %scan3A_24 to %scan3A_26 step %scan3A_27  : i32 {
      %mul3A_30 = arith.constant 32 : i32
      %mul3A_31 = arith.muli %add3A, %mul3A_30 : i32
      %add3A_32 = arith.addi %mul3A_31, %scan3A_29 : i32
      "tpu.region"() ({
        %run_scoped3A = tpu.sem_alloc : memref<!tpu.dma_semaphore, #tpu.memory_space<semaphore_mem>>
        %dma_start3A_77 = arith.constant 0 : i32
        %dma_start3A_78 = arith.constant 0 : i32
        %dma_start3A_79 = tpu.memref_slice %arg2[%add3A_32, %dma_start3A_77, %dma_start3A_78] : memref<1024x2x100xi32, #tpu.memory_space<hbm>> -> memref<1x2x100xi32, #tpu.memory_space<hbm>>
        %dma_start3A_80 = tpu.memref_squeeze %dma_start3A_79 : memref<1x2x100xi32, #tpu.memory_space<hbm>> -> memref<2x100xi32, #tpu.memory_space<hbm>>
        %dma_start3A_81 = arith.constant 0 : i32
        %dma_start3A_82 = arith.constant 0 : i32
        %dma_start3A_83 = tpu.memref_slice %arg2[%add3A_32, %dma_start3A_81, %dma_start3A_82] : memref<1024x2x100xi32, #tpu.memory_space<hbm>> -> memref<1x2x100xi32, #tpu.memory_space<hbm>>
        %dma_start3A_84 = tpu.memref_squeeze %dma_start3A_83 : memref<1x2x100xi32, #tpu.memory_space<hbm>> -> memref<2x100xi32, #tpu.memory_space<hbm>>
        tpu.enqueue_dma source(%dma_start3A_84 : memref<2x100xi32, #tpu.memory_space<hbm>>) target(%arg8 : memref<2x100xi32, #tpu.memory_space<vmem>>) target_semaphore(%run_scoped3A : memref<!tpu.dma_semaphore, #tpu.memory_space<semaphore_mem>>)
        %dma_wait3A_85 = arith.constant 0 : i32
        %dma_wait3A_86 = arith.constant 0 : i32
        %dma_wait3A_87 = tpu.memref_slice %arg2[%add3A_32, %dma_wait3A_85, %dma_wait3A_86] : memref<1024x2x100xi32, #tpu.memory_space<hbm>> -> memref<1x2x100xi32, #tpu.memory_space<hbm>>
        %dma_wait3A_88 = tpu.memref_squeeze %dma_wait3A_87 : memref<1x2x100xi32, #tpu.memory_space<hbm>> -> memref<2x100xi32, #tpu.memory_space<hbm>>
        %dma_wait3A_89 = arith.constant 0 : i32
        %dma_wait3A_90 = arith.constant 0 : i32
        %dma_wait3A_91 = tpu.memref_slice %arg2[%add3A_32, %dma_wait3A_89, %dma_wait3A_90] : memref<1024x2x100xi32, #tpu.memory_space<hbm>> -> memref<1x2x100xi32, #tpu.memory_space<hbm>>
        %dma_wait3A_92 = tpu.memref_squeeze %dma_wait3A_91 : memref<1x2x100xi32, #tpu.memory_space<hbm>> -> memref<2x100xi32, #tpu.memory_space<hbm>>
        tpu.wait_dma2 semaphore(%run_scoped3A : memref<!tpu.dma_semaphore, #tpu.memory_space<semaphore_mem>>) src(%dma_wait3A_92 : memref<2x100xi32, #tpu.memory_space<hbm>>) dst(%arg8 : memref<2x100xi32, #tpu.memory_space<vmem>>)
        tpu.yield
      }) : () -> ()
      %dma_start3A = arith.constant 0 : i32
      %dma_start3A_33 = arith.constant 0 : i32
      %dma_start3A_34 = arith.constant 0 : i32
      %dma_start3A_35 = tpu.memref_slice %arg9[%dma_start3A_33, %dma_start3A_34] : memref<200x64xf32, #tpu.memory_space<vmem>> -> memref<100x64xf32, #tpu.memory_space<vmem>>
      %dma_start3A_36 = arith.constant 0 : i32
      %dma_start3A_37 = tpu.memref_slice %arg8[%dma_start3A, %dma_start3A_36] : memref<2x100xi32, #tpu.memory_space<vmem>> -> memref<1x100xi32, #tpu.memory_space<vmem>>
      %dma_start3A_38 = tpu.memref_squeeze %dma_start3A_37 : memref<1x100xi32, #tpu.memory_space<vmem>> -> memref<100xi32, #tpu.memory_space<vmem>>
      %dma_start3A_39 = arith.constant 0 : i32
      %dma_start3A_40 = arith.constant 0 : i32
      %dma_start3A_41 = tpu.memref_slice %arg3[%dma_start3A_39, %dma_start3A_40] : memref<1000000x64xf32, #tpu.memory_space<hbm>> -> memref<1000000x64xf32, #tpu.memory_space<hbm>>
      tpu.enqueue_indirect_dma source(%dma_start3A_41 : memref<1000000x64xf32, #tpu.memory_space<hbm>>) target(%dma_start3A_35 : memref<100x64xf32, #tpu.memory_space<vmem>>) offsets(%dma_start3A_38 : memref<100xi32, #tpu.memory_space<vmem>>) semaphore(%arg13 : memref<!tpu.dma_semaphore, #tpu.memory_space<semaphore_mem>>)
      %dma_start3A_42 = arith.constant 1 : i32
      %dma_start3A_43 = arith.constant 100 : i32
      %dma_start3A_44 = arith.constant 0 : i32
      %dma_start3A_45 = tpu.memref_slice %arg9[%dma_start3A_43, %dma_start3A_44] : memref<200x64xf32, #tpu.memory_space<vmem>> -> memref<100x64xf32, #tpu.memory_space<vmem>>
      %dma_start3A_46 = arith.constant 0 : i32
      %dma_start3A_47 = tpu.memref_slice %arg8[%dma_start3A_42, %dma_start3A_46] : memref<2x100xi32, #tpu.memory_space<vmem>> -> memref<1x100xi32, #tpu.memory_space<vmem>>
      %dma_start3A_48 = tpu.memref_squeeze %dma_start3A_47 : memref<1x100xi32, #tpu.memory_space<vmem>> -> memref<100xi32, #tpu.memory_space<vmem>>
      %dma_start3A_49 = arith.constant 0 : i32
      %dma_start3A_50 = arith.constant 0 : i32
      %dma_start3A_51 = tpu.memref_slice %arg3[%dma_start3A_49, %dma_start3A_50] : memref<1000000x64xf32, #tpu.memory_space<hbm>> -> memref<1000000x64xf32, #tpu.memory_space<hbm>>
      tpu.enqueue_indirect_dma source(%dma_start3A_51 : memref<1000000x64xf32, #tpu.memory_space<hbm>>) target(%dma_start3A_45 : memref<100x64xf32, #tpu.memory_space<vmem>>) offsets(%dma_start3A_48 : memref<100xi32, #tpu.memory_space<vmem>>) semaphore(%arg13 : memref<!tpu.dma_semaphore, #tpu.memory_space<semaphore_mem>>)
      %dma_wait3A = arith.constant 0 : i32
      %dma_wait3A_52 = arith.constant 0 : i32
      %dma_wait3A_53 = arith.constant 0 : i32
      %dma_wait3A_54 = tpu.memref_slice %arg9[%dma_wait3A_52, %dma_wait3A_53] : memref<200x64xf32, #tpu.memory_space<vmem>> -> memref<100x64xf32, #tpu.memory_space<vmem>>
      %dma_wait3A_55 = arith.constant 0 : i32
      %dma_wait3A_56 = tpu.memref_slice %arg8[%dma_wait3A, %dma_wait3A_55] : memref<2x100xi32, #tpu.memory_space<vmem>> -> memref<1x100xi32, #tpu.memory_space<vmem>>
      %dma_wait3A_57 = tpu.memref_squeeze %dma_wait3A_56 : memref<1x100xi32, #tpu.memory_space<vmem>> -> memref<100xi32, #tpu.memory_space<vmem>>
      %dma_wait3A_58 = arith.constant 0 : i32
      %dma_wait3A_59 = arith.constant 0 : i32
      %dma_wait3A_60 = tpu.memref_slice %arg3[%dma_wait3A_58, %dma_wait3A_59] : memref<1000000x64xf32, #tpu.memory_space<hbm>> -> memref<1000000x64xf32, #tpu.memory_space<hbm>>
      tpu.wait_indirect_dma semaphore(%arg13 : memref<!tpu.dma_semaphore, #tpu.memory_space<semaphore_mem>>) src(%dma_wait3A_60 : memref<1000000x64xf32, #tpu.memory_space<hbm>>) dst(%dma_wait3A_54 : memref<100x64xf32, #tpu.memory_space<vmem>>)
      %dma_wait3A_61 = arith.constant 1 : i32
      %dma_wait3A_62 = arith.constant 100 : i32
      %dma_wait3A_63 = arith.constant 0 : i32
      %dma_wait3A_64 = tpu.memref_slice %arg9[%dma_wait3A_62, %dma_wait3A_63] : memref<200x64xf32, #tpu.memory_space<vmem>> -> memref<100x64xf32, #tpu.memory_space<vmem>>
      %dma_wait3A_65 = arith.constant 0 : i32
      %dma_wait3A_66 = tpu.memref_slice %arg8[%dma_wait3A_61, %dma_wait3A_65] : memref<2x100xi32, #tpu.memory_space<vmem>> -> memref<1x100xi32, #tpu.memory_space<vmem>>
      %dma_wait3A_67 = tpu.memref_squeeze %dma_wait3A_66 : memref<1x100xi32, #tpu.memory_space<vmem>> -> memref<100xi32, #tpu.memory_space<vmem>>
      %dma_wait3A_68 = arith.constant 0 : i32
      %dma_wait3A_69 = arith.constant 0 : i32
      %dma_wait3A_70 = tpu.memref_slice %arg3[%dma_wait3A_68, %dma_wait3A_69] : memref<1000000x64xf32, #tpu.memory_space<hbm>> -> memref<1000000x64xf32, #tpu.memory_space<hbm>>
      tpu.wait_indirect_dma semaphore(%arg13 : memref<!tpu.dma_semaphore, #tpu.memory_space<semaphore_mem>>) src(%dma_wait3A_70 : memref<1000000x64xf32, #tpu.memory_space<hbm>>) dst(%dma_wait3A_64 : memref<100x64xf32, #tpu.memory_space<vmem>>)
      %scan3A_71 = arith.constant 0 : i32
      %scan3A_72 = arith.constant 0 : i32
      %scan3A_73 = arith.constant 200 : i32
      %scan3A_74 = arith.addi %scan3A_72, %scan3A_73 : i32
      %scan3A_75 = arith.constant 1 : i32
      scf.for %scan3A_77 = %scan3A_72 to %scan3A_74 step %scan3A_75  : i32 {
        %get3A_78 = arith.index_cast %scan3A_77 : i32 to index
        %get3A_79 = arith.constant 0 : index
        %get3A_80 = tpu.vector_load %arg9[%get3A_78, %get3A_79] {strides = array<i32>} : memref<200x64xf32, #tpu.memory_space<vmem>>, vector<1x16xf32>,
        %get3A_81 = vector.shape_cast %get3A_80 : vector<1x16xf32> to vector<16xf32>
        %get3A_82 = arith.index_cast %scan3A_77 : i32 to index
        %get3A_83 = arith.constant 0 : index
        %get3A_84 = tpu.vector_load %arg10[%get3A_82, %get3A_83] {strides = array<i32>} : memref<200x64xf32, #tpu.memory_space<vmem>>, vector<1x16xf32>,
        %get3A_85 = vector.shape_cast %get3A_84 : vector<1x16xf32> to vector<16xf32>
        %add3A_86 = arith.addf %get3A_81, %get3A_85 : vector<16xf32>
        %get3A_87 = arith.index_cast %scan3A_77 : i32 to index
        %get3A_88 = arith.constant 16 : index
        %get3A_89 = tpu.vector_load %arg9[%get3A_87, %get3A_88] {strides = array<i32>} : memref<200x64xf32, #tpu.memory_space<vmem>>, vector<1x16xf32>,
        %get3A_90 = vector.shape_cast %get3A_89 : vector<1x16xf32> to vector<16xf32>
        %get3A_91 = arith.index_cast %scan3A_77 : i32 to index
        %get3A_92 = arith.constant 16 : index
        %get3A_93 = tpu.vector_load %arg10[%get3A_91, %get3A_92] {strides = array<i32>} : memref<200x64xf32, #tpu.memory_space<vmem>>, vector<1x16xf32>,
        %get3A_94 = vector.shape_cast %get3A_93 : vector<1x16xf32> to vector<16xf32>
        %add3A_95 = arith.addf %get3A_90, %get3A_94 : vector<16xf32>
        %get3A_96 = arith.index_cast %scan3A_77 : i32 to index
        %get3A_97 = arith.constant 32 : index
        %get3A_98 = tpu.vector_load %arg9[%get3A_96, %get3A_97] {strides = array<i32>} : memref<200x64xf32, #tpu.memory_space<vmem>>, vector<1x16xf32>,
        %get3A_99 = vector.shape_cast %get3A_98 : vector<1x16xf32> to vector<16xf32>
        %get3A_100 = arith.index_cast %scan3A_77 : i32 to index
        %get3A_101 = arith.constant 32 : index
        %get3A_102 = tpu.vector_load %arg10[%get3A_100, %get3A_101] {strides = array<i32>} : memref<200x64xf32, #tpu.memory_space<vmem>>, vector<1x16xf32>,
        %get3A_103 = vector.shape_cast %get3A_102 : vector<1x16xf32> to vector<16xf32>
        %add3A_104 = arith.addf %get3A_99, %get3A_103 : vector<16xf32>
        %get3A_105 = arith.index_cast %scan3A_77 : i32 to index
        %get3A_106 = arith.constant 48 : index
        %get3A_107 = tpu.vector_load %arg9[%get3A_105, %get3A_106] {strides = array<i32>} : memref<200x64xf32, #tpu.memory_space<vmem>>, vector<1x16xf32>,
        %get3A_108 = vector.shape_cast %get3A_107 : vector<1x16xf32> to vector<16xf32>
        %get3A_109 = arith.index_cast %scan3A_77 : i32 to index
        %get3A_110 = arith.constant 48 : index
        %get3A_111 = tpu.vector_load %arg10[%get3A_109, %get3A_110] {strides = array<i32>} : memref<200x64xf32, #tpu.memory_space<vmem>>, vector<1x16xf32>,
        %get3A_112 = vector.shape_cast %get3A_111 : vector<1x16xf32> to vector<16xf32>
        %add3A_113 = arith.addf %get3A_108, %get3A_112 : vector<16xf32>
        %add3A_114 = arith.addf %add3A_86, %add3A_95 : vector<16xf32>
        %add3A_115 = arith.addf %add3A_114, %add3A_104 : vector<16xf32>
        %add3A_116 = arith.addf %add3A_115, %add3A_113 : vector<16xf32>
        %iota3A = tpu.iota {dimensions = array<i32: 0>} : vector<16xi32>
        %xor3A = arith.constant 8 : i32
        %xor3A_117 = vector.broadcast %xor3A : i32 to vector<16xi32>
        %xor3A_118 = arith.xori %iota3A, %xor3A_117 : vector<16xi32>
        %broadcast_in_dim3A = vector.shape_cast %xor3A_118 : vector<16xi32> to vector<16x1xi32>
        %gather3A = vector.shape_cast %broadcast_in_dim3A : vector<16x1xi32> to vector<16xi32>
        %gather3A_119 = tpu.dynamic_gather %add3A_116[%gather3A] in [0] : vector<16xf32>, vector<16xi32> -> vector<16xf32>
        %add3A_120 = arith.addf %add3A_116, %gather3A_119 : vector<16xf32>
        %xor3A_121 = arith.constant 4 : i32
        %xor3A_122 = vector.broadcast %xor3A_121 : i32 to vector<16xi32>
        %xor3A_123 = arith.xori %iota3A, %xor3A_122 : vector<16xi32>
        %broadcast_in_dim3A_124 = vector.shape_cast %xor3A_123 : vector<16xi32> to vector<16x1xi32>
        %gather3A_125 = vector.shape_cast %broadcast_in_dim3A_124 : vector<16x1xi32> to vector<16xi32>
        %gather3A_126 = tpu.dynamic_gather %add3A_120[%gather3A_125] in [0] : vector<16xf32>, vector<16xi32> -> vector<16xf32>
        %add3A_127 = arith.addf %add3A_120, %gather3A_126 : vector<16xf32>
        %xor3A_128 = arith.constant 2 : i32
        %xor3A_129 = vector.broadcast %xor3A_128 : i32 to vector<16xi32>
        %xor3A_130 = arith.xori %iota3A, %xor3A_129 : vector<16xi32>
        %broadcast_in_dim3A_131 = vector.shape_cast %xor3A_130 : vector<16xi32> to vector<16x1xi32>
        %gather3A_132 = vector.shape_cast %broadcast_in_dim3A_131 : vector<16x1xi32> to vector<16xi32>
        %gather3A_133 = tpu.dynamic_gather %add3A_127[%gather3A_132] in [0] : vector<16xf32>, vector<16xi32> -> vector<16xf32>
        %add3A_134 = arith.addf %add3A_127, %gather3A_133 : vector<16xf32>
        %xor3A_135 = arith.constant 1 : i32
        %xor3A_136 = vector.broadcast %xor3A_135 : i32 to vector<16xi32>
        %xor3A_137 = arith.xori %iota3A, %xor3A_136 : vector<16xi32>
        %broadcast_in_dim3A_138 = vector.shape_cast %xor3A_137 : vector<16xi32> to vector<16x1xi32>
        %gather3A_139 = vector.shape_cast %broadcast_in_dim3A_138 : vector<16x1xi32> to vector<16xi32>
        %gather3A_140 = tpu.dynamic_gather %add3A_134[%gather3A_139] in [0] : vector<16xf32>, vector<16xi32> -> vector<16xf32>
        %add3A_141 = arith.addf %add3A_134, %gather3A_140 : vector<16xf32>
        %mul3A_142 = arith.constant 1.562500e-02 : f32
        %mul3A_143 = vector.broadcast %mul3A_142 : f32 to vector<16xf32>
        %mul3A_144 = arith.mulf %add3A_141, %mul3A_143 : vector<16xf32>
        %mul3A_145 = arith.mulf %add3A_86, %add3A_86 : vector<16xf32>
        %mul3A_146 = arith.mulf %add3A_95, %add3A_95 : vector<16xf32>
        %add3A_147 = arith.addf %mul3A_145, %mul3A_146 : vector<16xf32>
        %mul3A_148 = arith.mulf %add3A_104, %add3A_104 : vector<16xf32>
        %add3A_149 = arith.addf %add3A_147, %mul3A_148 : vector<16xf32>
        %mul3A_150 = arith.mulf %add3A_113, %add3A_113 : vector<16xf32>
        %add3A_151 = arith.addf %add3A_149, %mul3A_150 : vector<16xf32>
        %iota3A_152 = tpu.iota {dimensions = array<i32: 0>} : vector<16xi32>
        %xor3A_153 = arith.constant 8 : i32
        %xor3A_154 = vector.broadcast %xor3A_153 : i32 to vector<16xi32>
        %xor3A_155 = arith.xori %iota3A_152, %xor3A_154 : vector<16xi32>
        %broadcast_in_dim3A_156 = vector.shape_cast %xor3A_155 : vector<16xi32> to vector<16x1xi32>
        %gather3A_157 = vector.shape_cast %broadcast_in_dim3A_156 : vector<16x1xi32> to vector<16xi32>
        %gather3A_158 = tpu.dynamic_gather %add3A_151[%gather3A_157] in [0] : vector<16xf32>, vector<16xi32> -> vector<16xf32>
        %add3A_159 = arith.addf %add3A_151, %gather3A_158 : vector<16xf32>
        %xor3A_160 = arith.constant 4 : i32
        %xor3A_161 = vector.broadcast %xor3A_160 : i32 to vector<16xi32>
        %xor3A_162 = arith.xori %iota3A_152, %xor3A_161 : vector<16xi32>
        %broadcast_in_dim3A_163 = vector.shape_cast %xor3A_162 : vector<16xi32> to vector<16x1xi32>
        %gather3A_164 = vector.shape_cast %broadcast_in_dim3A_163 : vector<16x1xi32> to vector<16xi32>
        %gather3A_165 = tpu.dynamic_gather %add3A_159[%gather3A_164] in [0] : vector<16xf32>, vector<16xi32> -> vector<16xf32>
        %add3A_166 = arith.addf %add3A_159, %gather3A_165 : vector<16xf32>
        %xor3A_167 = arith.constant 2 : i32
        %xor3A_168 = vector.broadcast %xor3A_167 : i32 to vector<16xi32>
        %xor3A_169 = arith.xori %iota3A_152, %xor3A_168 : vector<16xi32>
        %broadcast_in_dim3A_170 = vector.shape_cast %xor3A_169 : vector<16xi32> to vector<16x1xi32>
        %gather3A_171 = vector.shape_cast %broadcast_in_dim3A_170 : vector<16x1xi32> to vector<16xi32>
        %gather3A_172 = tpu.dynamic_gather %add3A_166[%gather3A_171] in [0] : vector<16xf32>, vector<16xi32> -> vector<16xf32>
        %add3A_173 = arith.addf %add3A_166, %gather3A_172 : vector<16xf32>
        %xor3A_174 = arith.constant 1 : i32
        %xor3A_175 = vector.broadcast %xor3A_174 : i32 to vector<16xi32>
        %xor3A_176 = arith.xori %iota3A_152, %xor3A_175 : vector<16xi32>
        %broadcast_in_dim3A_177 = vector.shape_cast %xor3A_176 : vector<16xi32> to vector<16x1xi32>
        %gather3A_178 = vector.shape_cast %broadcast_in_dim3A_177 : vector<16x1xi32> to vector<16xi32>
        %gather3A_179 = tpu.dynamic_gather %add3A_173[%gather3A_178] in [0] : vector<16xf32>, vector<16xi32> -> vector<16xf32>
        %add3A_180 = arith.addf %add3A_173, %gather3A_179 : vector<16xf32>
        %mul3A_181 = arith.constant 1.562500e-02 : f32
        %mul3A_182 = vector.broadcast %mul3A_181 : f32 to vector<16xf32>
        %mul3A_183 = arith.mulf %add3A_180, %mul3A_182 : vector<16xf32>
        %mul3A_184 = arith.mulf %mul3A_144, %mul3A_144 : vector<16xf32>
        %sub3A = arith.subf %mul3A_183, %mul3A_184 : vector<16xf32>
        %add3A_185 = arith.constant 9.99999996E-13 : f32
        %add3A_186 = vector.broadcast %add3A_185 : f32 to vector<16xf32>
        %add3A_187 = arith.addf %sub3A, %add3A_186 : vector<16xf32>
        %bitcast_convert_type3A = tpu.bitcast %add3A_187 : vector<16xf32> -> vector<16xi32>
        %shift_right_logical3A = arith.constant 1 : i32
        %shift_right_logical3A_188 = vector.broadcast %shift_right_logical3A : i32 to vector<16xi32>
        %shift_right_logical3A_189 = arith.shrui %bitcast_convert_type3A, %shift_right_logical3A_188 : vector<16xi32>
        %sub3A_190 = arith.constant 1597463007 : i32
        %sub3A_191 = vector.broadcast %sub3A_190 : i32 to vector<16xi32>
        %sub3A_192 = arith.subi %sub3A_191, %shift_right_logical3A_189 : vector<16xi32>
        %bitcast_convert_type3A_193 = tpu.bitcast %sub3A_192 : vector<16xi32> -> vector<16xf32>
        %mul3A_194 = arith.constant 5.000000e-01 : f32
        %mul3A_195 = vector.broadcast %mul3A_194 : f32 to vector<16xf32>
        %mul3A_196 = arith.mulf %mul3A_195, %add3A_187 : vector<16xf32>
        %mul3A_197 = arith.mulf %mul3A_196, %bitcast_convert_type3A_193 : vector<16xf32>
        %mul3A_198 = arith.mulf %mul3A_197, %bitcast_convert_type3A_193 : vector<16xf32>
        %sub3A_199 = arith.constant 1.500000e+00 : f32
        %sub3A_200 = vector.broadcast %sub3A_199 : f32 to vector<16xf32>
        %sub3A_201 = arith.subf %sub3A_200, %mul3A_198 : vector<16xf32>
        %mul3A_202 = arith.mulf %bitcast_convert_type3A_193, %sub3A_201 : vector<16xf32>
        %mul3A_203 = arith.constant 5.000000e-01 : f32
        %mul3A_204 = vector.broadcast %mul3A_203 : f32 to vector<16xf32>
        %mul3A_205 = arith.mulf %mul3A_204, %add3A_187 : vector<16xf32>
        %mul3A_206 = arith.mulf %mul3A_205, %mul3A_202 : vector<16xf32>
        %mul3A_207 = arith.mulf %mul3A_206, %mul3A_202 : vector<16xf32>
        %sub3A_208 = arith.constant 1.500000e+00 : f32
        %sub3A_209 = vector.broadcast %sub3A_208 : f32 to vector<16xf32>
        %sub3A_210 = arith.subf %sub3A_209, %mul3A_207 : vector<16xf32>
        %mul3A_211 = arith.mulf %mul3A_202, %sub3A_210 : vector<16xf32>
        %mul3A_212 = arith.constant 5.000000e-01 : f32
        %mul3A_213 = vector.broadcast %mul3A_212 : f32 to vector<16xf32>
        %mul3A_214 = arith.mulf %mul3A_213, %add3A_187 : vector<16xf32>
        %mul3A_215 = arith.mulf %mul3A_214, %mul3A_211 : vector<16xf32>
        %mul3A_216 = arith.mulf %mul3A_215, %mul3A_211 : vector<16xf32>
        %sub3A_217 = arith.constant 1.500000e+00 : f32
        %sub3A_218 = vector.broadcast %sub3A_217 : f32 to vector<16xf32>
        %sub3A_219 = arith.subf %sub3A_218, %mul3A_216 : vector<16xf32>
        %mul3A_220 = arith.mulf %mul3A_211, %sub3A_219 : vector<16xf32>
        %sub3A_221 = arith.subf %add3A_86, %mul3A_144 : vector<16xf32>
        %mul3A_222 = arith.mulf %sub3A_221, %mul3A_220 : vector<16xf32>
        %mul3A_223 = arith.mulf %mul3A_222, %get3A_2 : vector<16xf32>
        %add3A_224 = arith.addf %mul3A_223, %get3A_14 : vector<16xf32>
        %swap3A = arith.index_cast %scan3A_77 : i32 to index
        %swap3A_225 = arith.constant 0 : index
        %swap3A_226 = tpu.vector_load %arg9[%swap3A, %swap3A_225] {strides = array<i32>} : memref<200x64xf32, #tpu.memory_space<vmem>>, vector<1x16xf32>,
        %swap3A_227 = vector.shape_cast %swap3A_226 : vector<1x16xf32> to vector<16xf32>
        %swap3A_228 = vector.shape_cast %add3A_224 : vector<16xf32> to vector<1x16xf32>
        tpu.vector_store %arg9[%swap3A, %swap3A_225], %swap3A_228 {strides = array<i32>} : memref<200x64xf32, #tpu.memory_space<vmem>>, vector<1x16xf32>,
        %sub3A_229 = arith.subf %add3A_95, %mul3A_144 : vector<16xf32>
        %mul3A_230 = arith.mulf %sub3A_229, %mul3A_220 : vector<16xf32>
        %mul3A_231 = arith.mulf %mul3A_230, %get3A_5 : vector<16xf32>
        %add3A_232 = arith.addf %mul3A_231, %get3A_17 : vector<16xf32>
        %swap3A_233 = arith.index_cast %scan3A_77 : i32 to index
        %swap3A_234 = arith.constant 16 : index
        %swap3A_235 = tpu.vector_load %arg9[%swap3A_233, %swap3A_234] {strides = array<i32>} : memref<200x64xf32, #tpu.memory_space<vmem>>, vector<1x16xf32>,
        %swap3A_236 = vector.shape_cast %swap3A_235 : vector<1x16xf32> to vector<16xf32>
        %swap3A_237 = vector.shape_cast %add3A_232 : vector<16xf32> to vector<1x16xf32>
        tpu.vector_store %arg9[%swap3A_233, %swap3A_234], %swap3A_237 {strides = array<i32>} : memref<200x64xf32, #tpu.memory_space<vmem>>, vector<1x16xf32>,
        %sub3A_238 = arith.subf %add3A_104, %mul3A_144 : vector<16xf32>
        %mul3A_239 = arith.mulf %sub3A_238, %mul3A_220 : vector<16xf32>
        %mul3A_240 = arith.mulf %mul3A_239, %get3A_8 : vector<16xf32>
        %add3A_241 = arith.addf %mul3A_240, %get3A_20 : vector<16xf32>
        %swap3A_242 = arith.index_cast %scan3A_77 : i32 to index
        %swap3A_243 = arith.constant 32 : index
        %swap3A_244 = tpu.vector_load %arg9[%swap3A_242, %swap3A_243] {strides = array<i32>} : memref<200x64xf32, #tpu.memory_space<vmem>>, vector<1x16xf32>,
        %swap3A_245 = vector.shape_cast %swap3A_244 : vector<1x16xf32> to vector<16xf32>
        %swap3A_246 = vector.shape_cast %add3A_241 : vector<16xf32> to vector<1x16xf32>
        tpu.vector_store %arg9[%swap3A_242, %swap3A_243], %swap3A_246 {strides = array<i32>} : memref<200x64xf32, #tpu.memory_space<vmem>>, vector<1x16xf32>,
        %sub3A_247 = arith.subf %add3A_113, %mul3A_144 : vector<16xf32>
        %mul3A_248 = arith.mulf %sub3A_247, %mul3A_220 : vector<16xf32>
        %mul3A_249 = arith.mulf %mul3A_248, %get3A_11 : vector<16xf32>
        %add3A_250 = arith.addf %mul3A_249, %get3A_23 : vector<16xf32>
        %swap3A_251 = arith.index_cast %scan3A_77 : i32 to index
        %swap3A_252 = arith.constant 48 : index
        %swap3A_253 = tpu.vector_load %arg9[%swap3A_251, %swap3A_252] {strides = array<i32>} : memref<200x64xf32, #tpu.memory_space<vmem>>, vector<1x16xf32>,
        %swap3A_254 = vector.shape_cast %swap3A_253 : vector<1x16xf32> to vector<16xf32>
        %swap3A_255 = vector.shape_cast %add3A_250 : vector<16xf32> to vector<1x16xf32>
        tpu.vector_store %arg9[%swap3A_251, %swap3A_252], %swap3A_255 {strides = array<i32>} : memref<200x64xf32, #tpu.memory_space<vmem>>, vector<1x16xf32>,
      }
      %scan3A_76 = arith.constant 200 : i32
      "tpu.region"() ({
        %run_scoped3A = tpu.sem_alloc : memref<!tpu.dma_semaphore, #tpu.memory_space<semaphore_mem>>
        %dma_start3A_77 = arith.constant 0 : i32
        %dma_start3A_78 = arith.constant 0 : i32
        %dma_start3A_79 = tpu.memref_slice %arg7[%add3A_32, %dma_start3A_77, %dma_start3A_78] : memref<1024x200x64xf32, #tpu.memory_space<hbm>> -> memref<1x200x64xf32, #tpu.memory_space<hbm>>
        %dma_start3A_80 = tpu.memref_squeeze %dma_start3A_79 : memref<1x200x64xf32, #tpu.memory_space<hbm>> -> memref<200x64xf32, #tpu.memory_space<hbm>>
        %dma_start3A_81 = arith.constant 0 : i32
        %dma_start3A_82 = arith.constant 0 : i32
        %dma_start3A_83 = tpu.memref_slice %arg7[%add3A_32, %dma_start3A_81, %dma_start3A_82] : memref<1024x200x64xf32, #tpu.memory_space<hbm>> -> memref<1x200x64xf32, #tpu.memory_space<hbm>>
        %dma_start3A_84 = tpu.memref_squeeze %dma_start3A_83 : memref<1x200x64xf32, #tpu.memory_space<hbm>> -> memref<200x64xf32, #tpu.memory_space<hbm>>
        tpu.enqueue_dma source(%arg9 : memref<200x64xf32, #tpu.memory_space<vmem>>) target(%dma_start3A_84 : memref<200x64xf32, #tpu.memory_space<hbm>>) target_semaphore(%run_scoped3A : memref<!tpu.dma_semaphore, #tpu.memory_space<semaphore_mem>>)
        %dma_wait3A_85 = arith.constant 0 : i32
        %dma_wait3A_86 = arith.constant 0 : i32
        %dma_wait3A_87 = tpu.memref_slice %arg7[%add3A_32, %dma_wait3A_85, %dma_wait3A_86] : memref<1024x200x64xf32, #tpu.memory_space<hbm>> -> memref<1x200x64xf32, #tpu.memory_space<hbm>>
        %dma_wait3A_88 = tpu.memref_squeeze %dma_wait3A_87 : memref<1x200x64xf32, #tpu.memory_space<hbm>> -> memref<200x64xf32, #tpu.memory_space<hbm>>
        %dma_wait3A_89 = arith.constant 0 : i32
        %dma_wait3A_90 = arith.constant 0 : i32
        %dma_wait3A_91 = tpu.memref_slice %arg7[%add3A_32, %dma_wait3A_89, %dma_wait3A_90] : memref<1024x200x64xf32, #tpu.memory_space<hbm>> -> memref<1x200x64xf32, #tpu.memory_space<hbm>>
        %dma_wait3A_92 = tpu.memref_squeeze %dma_wait3A_91 : memref<1x200x64xf32, #tpu.memory_space<hbm>> -> memref<200x64xf32, #tpu.memory_space<hbm>>
        tpu.wait_dma2 semaphore(%run_scoped3A : memref<!tpu.dma_semaphore, #tpu.memory_space<semaphore_mem>>) src(%arg9 : memref<200x64xf32, #tpu.memory_space<vmem>>) dst(%dma_wait3A_92 : memref<200x64xf32, #tpu.memory_space<hbm>>)
        tpu.yield
      }) : () -> ()
    }
    %scan3A_28 = arith.constant 32 : i32
    return
  }
}

</mosaic_0001>

<sc_bundles>
// kernel: kernel.3.cloned.1.call-start
scs
__scs_entry_jumppad:
0x0: {  	(pc) =	sbr.rel $0x88, $3  }
0x1: {  	(tag) =	ssettag $0x0;
	lr =	simm.s32 $0x1  }
0x2: {  	[smem:$0x3F9C] =	sst lr;
	_ =	strace $0xD0000000  }
0x3: {  	_ = 	snop  }
0x4: {  	_ = 	snop  }
0x5: {  	_ = 	snop  }
0x6: {  	_ = 	snop  }
0x7: {  	_ = 	snop  }
__scs_overlays_trampoline_lowered:
0x8: {  	[smem:$0x3FAB] =	sst s0  }
0x9: {  	[smem:$0x3FAC] =	sst s1  }
0xa: {  	[smem:$0x3FAD] =	sst s2  }
0xb: {  	[smem:$0x3FAE] =	sst s3  }
0xc: {  	[smem:$0x3FAF] =	sst s4  }
0xd: {  	[smem:$0x3FB0] =	sst s5  }
0xe: {  	[smem:$0x3FB1] =	sst s6  }
0xf: {  	[smem:$0x3FB2] =	sst s7  }
0x10: {  	[smem:$0x3FB3] =	sst s8  }
0x11: {  	[smem:$0x3FB4] =	sst s9;
	s0 =	simm.s32 @!p0 $0x0  }
0x12: {  	s1 =	sld [smem:$0x3F9A];
	s0 =	simm.s32 @p0 $0x1  }
0x13: {  	[smem:$0x3FB5] =	sst s0;
	s0 =	simm.s32 @!p1 $0x0  }
0x14: {  	s2 =	sld [smem:$0x3F99];
	s0 =	simm.s32 @p1 $0x1  }
0x15: {  	[smem:$0x3FB6] =	sst s0;
	s0 =	simm.s32 @!p2 $0x0  }
0x16: {  	s3 =	sld [smem:$0x3FDB];
	s0 =	simm.s32 @p2 $0x1  }
0x17: {  	s4 =	simm.s32 $0x1BF5;
	[smem:$0x3FB8] =	sst s0  }
0x18: {  	s0 =	sld [smem:$0x3F9B];
	_ =	swait.ge [sflag:s4], $0x0  }
0x19: {  	s7 =	sld [smem:$0x3F9C]  }
0x1a: {  	s8 =	sadd.s32 $0xFFFFE003, lr  }
0x1b: {  	s9 =	sadd.s32 $0xFFFFFEF7, lr;
	s5 =	simm.s32 $0xFFFFFFFF;
	p2 =	slt.u32 s8, $0xFFFFF086  }
0x1c: {  	p1 =	slt.u32 s9, $0xF7A;
	s5 =	simm.s32 @!p2 $0x0  }
0x1d: {  	s5 =	simm.s32 @p1 $0x1;
	p0 =	seq.s32 s7, s2  }
0x1e: {  	s7 =	smul.u32 @!p0 $0xF7A, s2;
	p2 =	seq.s32 @!p0 s5, $0x0  }
0x1f: {  	s9 =	smul.u32 $0xF7A, s1;
	s8 =	simm.s32 @!p0 $0x1BF5;
	p2 =	por !p2, p0  }
0x20: {  	[sflag:s8] =	ssyncset.s32 @!p0 $0xFFFFF086;
	s6 =	sadd.s32 @!p0 s3, s7;
	s7 =	simm.s32 @!p0 $0x108  }
0x21: {  	s3 =	sadd.s32 s3, s9;
	s6 =	sadd.s32 @!p0 $0x88, s6;
	s7 =	simm.s32 @p2 $0x1082  }
0x22: {  	[simem:s7], [sflag:s8] =	dma.local @!p0 [hbm:s6], $0xF7A  }
0x23: {  	s9 =	sor.u32 $0xD0000000, s2;
	s6 =	simm.s32 $0x108;
	_ =	swait.ge @!p0 [sflag:s8], $0x0  }
0x24: {  	s3 =	sadd.s32 $0x88, s3;
	s6 =	simm.s32 @!p1 $0x1082;
	[sflag:s4] =	ssyncset.s32 $0xFFFFF086  }
0x25: {  	[simem:s6], [sflag:s4] =	dma.local [hbm:s3], $0xF7A  }
0x26: {  	[smem:$0x3F9C] =	sst s1;
	(tag) =	ssettag s2;
	_ =	strace s9  }
0x27: {  	s1 =	sld [smem:$0x3FAC]  }
0x28: {  	s2 =	sld [smem:$0x3FAD]  }
0x29: {  	s4 =	sld [smem:$0x3FAF]  }
0x2a: {  	p0 =	seq.s32 s5, $0x0;
	s5 =	sld [smem:$0x3FB0]  }
0x2b: {  	s6 =	sld [smem:$0x3FB1]  }
0x2c: {  	s7 =	sld [smem:$0x3FB2]  }
0x2d: {  	s3 =	simm.s32 $0x108;
	s8 =	sld [smem:$0x3FB3]  }
0x2e: {  	s3 =	simm.s32 @!p0 $0x1082;
	s9 =	sld [smem:$0x3FB4]  }
0x2f: {  	lr =	sadd.s32 s0, s3;
	s0 =	sld [smem:$0x3FAB]  }
0x30: {  	s3 =	sld [smem:$0x3FAE]  }
0x31: {  	[smem:$0x3FB7] =	sst s10  }
0x32: {  	s10 =	sld [smem:$0x3FB5];
	_ =	sdelay $0x3  }
0x33: {  	p0 =	seq.s32 s10, $0x1;
	s10 =	sld [smem:$0x3FB7];
	_ =	sdelay $0x3  }
0x34: {  	[smem:$0x3FB7] =	sst s10  }
0x35: {  	s10 =	sld [smem:$0x3FB6];
	_ =	sdelay $0x3  }
0x36: {  	p1 =	seq.s32 s10, $0x1;
	s10 =	sld [smem:$0x3FB7];
	_ =	sdelay $0x3  }
0x37: {  	[smem:$0x3FB7] =	sst s10  }
0x38: {  	s10 =	sld [smem:$0x3FB8]  }
0x39: {  	_ = 	snop;
	(pc) =	sbr.ind lr, $3  }
0x3a: {  	_ = 	snop  }
0x3b: {  	_ = 	snop  }
0x3c: {  	p2 =	seq.s32 s10, $0x1;
	s10 =	sld [smem:$0x3FB7]  }
0x3d: {  	_ =	shalt  }
0x3e: {  	_ =	shalt  }
0x3f: {  	_ =	shalt  }
0x40: {  	_ =	shalt  }
0x41: {  	_ =	shalt  }
0x42: {  	_ =	shalt  }
0x43: {  	_ =	shalt  }
0x44: {  	_ =	shalt  }
0x45: {  	_ =	shalt  }
0x46: {  	_ =	shalt  }
0x47: {  	_ =	shalt  }
0x48: {  	_ =	shalt  }
0x49: {  	_ =	shalt  }
0x4a: {  	_ =	shalt  }
0x4b: {  	_ =	shalt  }
0x4c: {  	_ =	shalt  }
0x4d: {  	_ =	shalt  }
0x4e: {  	_ =	shalt  }
0x4f: {  	_ =	shalt  }
0x50: {  	_ =	shalt  }
0x51: {  	_ =	shalt  }
0x52: {  	_ =	shalt  }
0x53: {  	_ =	shalt  }
0x54: {  	_ =	shalt  }
0x55: {  	_ =	shalt  }
0x56: {  	_ =	shalt  }
0x57: {  	_ =	shalt  }
0x58: {  	_ =	shalt  }
0x59: {  	_ =	shalt  }
0x5a: {  	_ =	shalt  }
0x5b: {  	_ =	shalt  }
0x5c: {  	_ =	shalt  }
0x5d: {  	_ =	shalt  }
0x5e: {  	_ =	shalt  }
0x5f: {  	_ =	shalt  }
0x60: {  	_ =	shalt  }
0x61: {  	_ =	shalt  }
0x62: {  	_ =	shalt  }
0x63: {  	_ =	shalt  }
0x64: {  	_ =	shalt  }
0x65: {  	_ =	shalt  }
0x66: {  	_ =	shalt  }
0x67: {  	_ =	shalt  }
0x68: {  	_ =	shalt  }
0x69: {  	_ =	shalt  }
0x6a: {  	_ =	shalt  }
0x6b: {  	_ =	shalt  }
0x6c: {  	_ =	shalt  }
0x6d: {  	_ =	shalt  }
0x6e: {  	_ =	shalt  }
0x6f: {  	_ =	shalt  }
0x70: {  	_ =	shalt  }
0x71: {  	_ =	shalt  }
0x72: {  	_ =	shalt  }
0x73: {  	_ =	shalt  }
0x74: {  	_ =	shalt  }
0x75: {  	_ =	shalt  }
0x76: {  	_ =	shalt  }
0x77: {  	_ =	shalt  }
0x78: {  	_ =	shalt  }
0x79: {  	_ =	shalt  }
0x7a: {  	_ =	shalt  }
0x7b: {  	_ =	shalt  }
0x7c: {  	_ =	shalt  }
0x7d: {  	_ =	shalt  }
0x7e: {  	_ =	shalt  }
0x7f: {  	_ =	shalt  }
0x80: {  	_ =	shalt  }
0x81: {  	_ =	shalt  }
0x82: {  	_ =	shalt  }
0x83: {  	_ =	shalt  }
0x84: {  	_ =	shalt  }
0x85: {  	_ =	shalt  }
0x86: {  	_ =	shalt  }
0x87: {  	_ =	shalt  }
.Lfunc_end0:
.L_simem_size_0:
called_computation.1_lowered:
.L_overlay_start_0:
0x88: {  	s2 =	sld [smem:$0x3FD9]  }
0x89: {  	s3 =	sld [smem:$0x3FFE];
	_ =	sdelay $0x1  }
0x8a: {  	s1 =	srdreg.scid  }
0x8b: {  	s0 =	sand.u32 $0x1, s1  }
0x8c: {  	s17 =	sshll.u32 s0, $0xA;
	s2 =	sadd.s32 s3, s2  }
0x8d: {  	s2 =	sadd.s32 s2, s17  }
0x8e: {  	[smem:$0x3FC3] =	sst s2  }
0x8f: {  	_ = 	snop  }
0x90: {  	s2 =	sld [smem:$0x3FC6]  }
0x91: {  	s18 =	sld [smem:$0x3FC5]  }
0x92: {  	s4 =	sld [smem:$0x3FD0];
	(tm) =	ssettm $0x1  }
0x93: {  	s5 =	sld [smem:$0x3FFB];
	_ =	sdelay $0x3  }
0x94: {  	_ =	strace s5  }
0x95: {  	s5 =	sld [smem:$0x3FFC];
	_ =	sdelay $0x3  }
0x96: {  	_ =	strace s5  }
0x97: {  	s5 =	sld [smem:$0x3FFD];
	_ =	sdelay $0x3  }
0x98: {  	_ =	strace s5  }
0x99: {  	_ =	strace $0x8FFFFFFF  }
0x9a: {  	s19 =	sld [smem:$0x3FDB];
	_ =	sdelay $0x1  }
0x9b: {  	s6 =	simm.s32 $_scs_section_size  }
0x9c: {  	s7 =	simm.s32 $_size__tile_overlayer_lowered;
	s8 =	simm.s32 $_tile_overlayer_lowered  }
0x9d: {  	s22 =	simm.s32 $0x1BFF;
	s21 =	sshll.u32 s8, $0x1;
	s5 =	sadd.s32 s6, s19  }
0x9e: {  	s9 =	simm.s32 $0x0;
	s20 =	sshll.u32 s7, $0x1;
	s7 =	sadd.s32 s21, s5  }
0x9f: {  	[timem:s9], [sflag:s22] =	dma.local [hbm:s7], s20  }
0xa0: {  	_ =	swait.ge [sflag:s22], s20  }
0xa1: {  	s6 =	ssub.s32 $0x0, s20;
	[sflag:s22] =	ssyncset.done $0x0  }
0xa2: {  	[sflag:s22] =	ssyncadd.s32 s6;
	_ =	sdelay $0x1  }
0xa3: {  	s23 =	simm.s32 $0x1B8B  }
0xa4: {  	_ =	swait.ge [sflag:s23], $0x1  }
0xa5: {  	[sflag:s23] =	ssyncset.done $0x0  }
0xa6: {  	s25 =	simm.s32 $0x1B8E;
	s24 =	sld [smem:$0x3FFE];
	[sflag:s23] =	ssyncadd.s32 $0xFFFFFFFF  }
0xa7: {  	s26 =	simm.s32 $execute0_lowered;
	[smem:$0x3FD2] =	sst s25  }
0xa8: {  	s7 =	sshll.u32 s26, $0x1;
	_ =	strace $0x80000046;
	[dreg:$0x1] =	wrdreg $0xFFFFFFFF  }
0xa9: {  	s28 =	simm.s32 $_size_execute0_lowered;
	s5 =	sadd.s32 s5, s7;
	[dreg:$0x0] =	wrdreg $0x0  }
0xaa: {  	s7 =	sshll.u32 s28, $0x1;
	[dreg:$0x2] =	wrdreg s5  }
0xab: {  	[dreg:$0x3] =	wrdreg s7  }
0xac: {  	[dreg:$0x4] =	wrdreg $0xC0  }
0xad: {  	_ =	task [dreg:s9], $0x5FFFF  }
0xae: {  	[dreg:$0x1] =	wrdreg $0xFFFFFFFF  }
0xaf: {  	[dreg:$0x0] =	wrdreg $0x60  }
0xb0: {  	[dreg:$0x2] =	wrdreg s24  }
0xb1: {  	[dreg:$0x3] =	wrdreg s2  }
0xb2: {  	[dreg:$0x4] =	wrdreg s18  }
0xb3: {  	[dreg:$0x5] =	wrdreg s4  }
0xb4: {  	[dreg:$0x6] =	wrdreg $0x9  }
0xb5: {  	_ =	task.clear_ibuf [dreg:s9], $0x7FFFF;
	_ =	strace $0x90000046  }
0xb6: {  	s29 =	simm.s32 $0x9;
	_ =	strace $0x80000048  }
0xb7: {  	_ =	swait.ge [sflag:s29], $0x1  }
0xb8: {  	[sflag:s29] =	ssyncadd.s32 $0xFFFFFFFF  }
0xb9: {  	_ =	strace $0x90000048  }
0xba: {  	_ =	sfence  }
0xbb: {  	s30 =	sld [smem:$0x0];
	_ =	sdelay $0x2  }
0xbc: {  	s31 =	sshll.u32 s1, $0xD;
	s1 =	sshrl.u32 s1, $0x2  }
0xbd: {  	s3 =	sand.u32 $0x4000, s31;
	s1 =	sadd.s32 s1, s30  }
0xbe: {  	s0 =	sor.u32 s3, s0;
	s1 =	sshll.u32 s1, $0x11  }
0xbf: {  	s0 =	sor.u32 s1, s0  }
0xc0: {  	s0 =	sadd.s32 $0x8F2B, s0  }
0xc1: {  	[sflag:s0] =	ssyncadd.remote.s32 $0x1  }
0xc2: {  	_ =	sfence.sel $0xFFFF  }
0xc3: {  	[dreg:$0x0] =	wrdreg $0xFFFFFFFF;
	(pc) =	sbr.abs _section_cstart, $3  }
0xc4: {  	[dreg:$0x1] =	wrdreg $0xFFFFFFFF  }
0xc5: {  	_ =	task.clear_ibuf [dreg:s9], $0x2FFFF;
	_ =	strace $0x9FFFFFFF  }
0xc6: {  	(tm) =	ssettm $0x7FFFFFFF  }
0xc7: {  	_ =	shalt  }
tec
execute0_lowered:
.L_overlay_start_1:
0x0: {  	(tag) =	ssettag $0x1  }
0x1: {  	s7 =	rddreg [dreg:$0x0]  }
0x2: {  	s0 =	rddreg [dreg:$0x1];
	v0 =	vimm.s32 $0xFEDCBA98;
	v1 =	vimm.s32 $0x76543210  }
0x3: {  	s1 =	rddreg [dreg:$0x2];
	v2 =	vimm.s32 $0xBA98FEDC;
	v3 =	vimm.s32 $0x32107654;
	v4 =	vimm.s32 $0xDCFE98BA  }
0x4: {  	s3 =	rddreg [dreg:$0x3];
	v5 =	vimm.s32 $0x54761032;
	v6 =	vimm.s32 $0xEFCDAB89;
	v7 =	vimm.s32 $0x67452301  }
0x5: {  	s4 =	simm.s32 $0x0;
	s2 =	rddreg [dreg:$0x4];
	s5 =	srdreg.scid;
	v0 =	vunpack.c.l.s4.s8 v0;
	v1 =	vunpack.c.l.s4.s8 v1;
	v2 =	vunpack.c.l.s4.s8 v2  }
0x6: {  	s12 =	simm.s32 $0x2;
	s13 =	simm.s32 $0x64D0;
	s14 =	simm.s32 $0x6510;
	v3 =	vunpack.c.l.s4.s8 v3;
	v4 =	vunpack.c.l.s4.s8 v4;
	v5 =	vunpack.c.l.s4.s8 v5  }
0x7: {  	s15 =	simm.s32 $0x64;
	s16 =	simm.s32 $0xD0;
	s17 =	simm.s32 $0x68;
	v6 =	vunpack.c.l.s4.s8 v6;
	v7 =	vunpack.c.l.s4.s8 v7;
	v0 =	vunpack.c.0.s8.s32 v0  }
0x8: {  	s18 =	simm.s32 $0x19D0;
	s19 =	simm.s32 $0x1;
	s20 =	simm.s32 $0x0;
	v2 =	vunpack.c.0.s8.s32 v2;
	v3 =	vunpack.c.0.s8.s32 v3;
	v4 =	vunpack.c.0.s8.s32 v4  }
0x9: {  	[smem:$0x7FF] =	sst s4;
	s9 =	sand.u32 $0x1, s5;
	s5 =	sadd.s32 $0xC00, s7;
	v5 =	vunpack.c.0.s8.s32 v5;
	v6 =	vunpack.c.0.s8.s32 v6;
	v7 =	vunpack.c.0.s8.s32 v7  }
0xa: {  	s6 =	sadd.s32 $0xF43000, s7;
	s8 =	sadd.s32 $0x7400, s7;
	s10 =	ssub.s32 $0x2, s9;
	v1 =	vunpack.c.0.s8.s32 v1;
	v2 =	vcombine.low v3, v2  }
0xb: {  	s7 =	stileid.u32;
	_ =	strace $0x80000047;
	s11 =	sshrl.u32 s10, $0x1;
	v3 =	vcombine.low v5, v4;
	v4 =	vcombine.low v7, v6;
	v0 =	vand.u32 $0xF, v0  }
0xc: {  	s31 =	sshll.u32 s7, $0x6;
	s9 =	sshll.u32 s9, $0x5;
	s10 =	ssub.s32 s10, s11;
	v0 =	vcombine.low v0, v1  }
0xd: {  	s9 =	sor.u32 s9, s31;
	s11 =	simm.s32 $0x32D0;
	s10 =	smax.u32 s10, $0x1;
	v1 =	vand.u32 $0xF, v2;
	v2 =	vand.u32 $0xF, v3;
	v3 =	vand.u32 $0xF, v4  }
.LBB2_1:
0xe: {  	[tilespmem:s11], [sflag:$0x2] =	stream.linear.gather [hbm4b:s8+s4], $0x3200, $0x38;
	[tilespmem:$0x6550] =	vst v63  }
0xf: {  	_ =	swait.ge [sflag:s12], $0x3200  }
0x10: {  	[sflag:s12] =	ssyncset.done $0x0  }
0x11: {  	[sflag:s12] =	ssyncadd.s32 $0xFFFFCE00  }
0x12: {  	[tilespmem:s13], [sflag:$0x2] =	stream.linear.gather [hbm4b:s0+s4], $0x40, $0x38;
	[tilespmem:$0x6550] =	vst v63  }
0x13: {  	_ =	swait.ge [sflag:s12], $0x40  }
0x14: {  	[sflag:s12] =	ssyncset.done $0x0  }
0x15: {  	[sflag:s12] =	ssyncadd.s32 $0xFFFFFFC0  }
0x16: {  	[tilespmem:s14], [sflag:$0x2] =	stream.linear.gather [hbm4b:s1+s4], $0x40, $0x38;
	[tilespmem:$0x6550] =	vst v63  }
0x17: {  	_ =	swait.ge [sflag:s12], $0x40  }
0x18: {  	[sflag:s12] =	ssyncset.done $0x0  }
0x19: {  	[sflag:s12] =	ssyncadd.s32 $0xFFFFFFC0  }
0x1a: {  	v4 =	vld [tilespmem:$0x64D0]  }
0x1b: {  	v5 =	vld [tilespmem:$0x64E0]  }
0x1c: {  	v6 =	vld [tilespmem:$0x64F0]  }
0x1d: {  	v7 =	vld [tilespmem:$0x6500]  }
0x1e: {  	v8 =	vld [tilespmem:$0x6510]  }
0x1f: {  	v9 =	vld [tilespmem:$0x6520]  }
0x20: {  	v10 =	vld [tilespmem:$0x6530]  }
0x21: {  	s21 =	simm.s32 $0x0;
	v11 =	vld [tilespmem:$0x6540]  }
.LBB2_2:
0x22: {  	s22 =	sadd.s32 s9, s21  }
0x23: {  	s23 =	smul.u32 $0x1A, s22;
	_ =	sdelay $0x1  }
0x24: {  	s24 =	simm.s32 $0x0;
	s23 =	sadd.s32 s5, s23  }
0x25: {  	[tilespmem:s24], [sflag:$0x2] =	stream.linear.gather [hbm4b:s23+s24], $0xD0, $0x38;
	[tilespmem:$0x6550] =	vst v63  }
0x26: {  	_ =	swait.ge [sflag:s12], $0xD0  }
0x27: {  	[sflag:s12] =	ssyncset.done $0x0  }
0x28: {  	[sflag:s12] =	ssyncadd.s32 $0xFFFFFF30  }
0x29: {  	[tilespmem:s16], [sflag:$0x1] =	stream.indirect.gather [hbm4b:s6+s15], $0x40, s24, s15, $0xb8;
	[tilespmem:$0x6550] =	vst v63  }
0x2a: {  	_ = 	snop  }
0x2b: {  	[tilespmem:s18], [sflag:$0x1] =	stream.indirect.gather [hbm4b:s6+s15], $0x40, s17, s15, $0xb8;
	[tilespmem:$0x6550] =	vst v63  }
0x2c: {  	_ =	swait.ge [sflag:s19], $0x1900  }
0x2d: {  	[sflag:s19] =	ssyncset.done $0x0  }
0x2e: {  	[sflag:s19] =	ssyncadd.s32 $0xFFFFE700  }
0x2f: {  	_ =	swait.ge [sflag:s19], $0x1900  }
0x30: {  	[sflag:s19] =	ssyncset.done $0x0  }
0x31: {  	s23 =	simm.s32 $0x0;
	[sflag:s19] =	ssyncadd.s32 $0xFFFFE700  }
0x32: {  	v12 =	vld [tilespmem:s23+$0x32E0]  }
0x33: {  	v13 =	vld [tilespmem:s23+$0x32D0]  }
0x34: {  	v19 =	vld [tilespmem:s23+$0xD0]  }
0x35: {  	v14 =	vld [tilespmem:s23+$0x3300]  }
0x36: {  	v18 =	vld [tilespmem:s23+$0xE0]  }
0x37: {  	v15 =	vld [tilespmem:s23+$0x32F0]  }
0x38: {  	v17 =	vld [tilespmem:s23+$0xF0]  }
0x39: {  	v16 =	vld [tilespmem:s23+$0x100]  }
0x3a: {  	s24 =	simm.s32 $0x100;
	v13 =	vadd.f32 v13, v19  }
.LBB2_3:
0x3b: {  	p0 =	sne.s32 s24, $0xC700;
	v18 =	vadd.f32 v12, v18;
	s25 =	smov.u32 s24;
	s24 =	sadd.s32 $0x100, s24  }
0x3c: {  	s25 =	sshra.s32 s25, $0x2;
	v19 =	vmul.f32 v13, v13  }
0x3d: {  	v12 =	vld [tilespmem:s25+$0x32E0];
	v15 =	vadd.f32 v15, v17;
	v17 =	vadd.f32 v18, v13;
	v20 =	vmul.f32 v18, v18  }
0x3e: {  	v14 =	vadd.f32 v14, v16  }
0x3f: {  	v16 =	vadd.f32 v15, v17;
	v17 =	vadd.f32 v20, v19;
	v19 =	vmul.f32 v15, v15  }
0x40: {  	v20 =	vmul.f32 v14, v14  }
0x41: {  	v16 =	vadd.f32 v14, v16;
	v17 =	vadd.f32 v19, v17;
	_ =	sdelay $0x1  }
0x42: {  	v19 =	vperm.xlane v16, v0;
	v17 =	vadd.f32 v20, v17;
	_ =	sdelay $0x1  }
0x43: {  	v16 =	vadd.f32 v16, v19;
	v19 =	vperm.xlane v17, v0;
	_ =	sdelay $0x1  }
0x44: {  	v20 =	vperm.xlane v16, v1;
	v17 =	vadd.f32 v19, v17;
	_ =	sdelay $0x1  }
0x45: {  	v16 =	vadd.f32 v16, v20;
	v19 =	vperm.xlane v17, v1;
	_ =	sdelay $0x1  }
0x46: {  	v20 =	vperm.xlane v16, v2;
	v17 =	vadd.f32 v19, v17;
	_ =	sdelay $0x1  }
0x47: {  	v16 =	vadd.f32 v16, v20;
	v19 =	vperm.xlane v17, v2;
	_ =	sdelay $0x1  }
0x48: {  	v20 =	vperm.xlane v16, v3;
	v17 =	vadd.f32 v19, v17;
	_ =	sdelay $0x1  }
0x49: {  	v16 =	vadd.f32 v16, v20;
	v19 =	vperm.xlane v17, v3;
	_ =	sdelay $0x1  }
0x4a: {  	v16 =	vmul.f32 $1.562500000e-02, v16;
	v17 =	vadd.f32 v19, v17;
	_ =	sdelay $0x1  }
0x4b: {  	v17 =	vmul.f32 $1.562500000e-02, v17;
	v19 =	vmul.f32 v16, v16;
	v13 =	vsub.f32 v13, v16  }
0x4c: {  	v18 =	vsub.f32 v18, v16;
	v15 =	vsub.f32 v15, v16  }
0x4d: {  	v14 =	vsub.f32 v14, v16;
	v17 =	vsub.f32 v17, v19;
	_ =	sdelay $0x1  }
0x4e: {  	v16 =	vadd.f32 $9.999999960e-13, v17;
	_ =	sdelay $0x1  }
0x4f: {  	v17 =	vshrl.u32 v16, $0x1;
	v16 =	vmul.f32 $5.000000000e-01, v16  }
0x50: {  	v17 =	vsub.s32 $0x5F3759DF, v17  }
0x51: {  	v19 =	vmul.f32 v17, v16;
	_ =	sdelay $0x1  }
0x52: {  	v19 =	vmul.f32 v17, v19;
	_ =	sdelay $0x1  }
0x53: {  	v19 =	vsub.f32 $1.500000000e+00, v19;
	_ =	sdelay $0x1  }
0x54: {  	v17 =	vmul.f32 v17, v19;
	_ =	sdelay $0x1  }
0x55: {  	v19 =	vmul.f32 v17, v16;
	_ =	sdelay $0x1  }
0x56: {  	v19 =	vmul.f32 v19, v17;
	_ =	sdelay $0x1  }
0x57: {  	v19 =	vsub.f32 $1.500000000e+00, v19;
	_ =	sdelay $0x1  }
0x58: {  	v17 =	vmul.f32 v19, v17;
	_ =	sdelay $0x1  }
0x59: {  	v16 =	vmul.f32 v17, v16;
	_ =	sdelay $0x1  }
0x5a: {  	v16 =	vmul.f32 v16, v17;
	_ =	sdelay $0x1  }
0x5b: {  	v16 =	vsub.f32 $1.500000000e+00, v16;
	_ =	sdelay $0x1  }
0x5c: {  	v16 =	vmul.f32 v16, v17;
	_ =	sdelay $0x1  }
0x5d: {  	v13 =	vmul.f32 v16, v13;
	v17 =	vmul.f32 v16, v18  }
0x5e: {  	v15 =	vmul.f32 v16, v15;
	v14 =	vmul.f32 v16, v14  }
0x5f: {  	v13 =	vmul.f32 v13, v4;
	v16 =	vmul.f32 v17, v5  }
0x60: {  	v15 =	vmul.f32 v15, v6;
	v17 =	vmul.f32 v14, v7  }
0x61: {  	v13 =	vadd.f32 v13, v8;
	v16 =	vadd.f32 v16, v9  }
0x62: {  	v19 =	vadd.f32 v15, v10;
	v15 =	vadd.f32 v17, v11;
	v14 =	vld [tilespmem:s25+$0x3300]  }
0x63: {  	v20 =	vld [tilespmem:s25+$0x32D0];
	[tilespmem:s23+$0xD0] =	vst v13  }
0x64: {  	v13 =	vld [tilespmem:s25+$0xD0];
	[tilespmem:s23+$0xE0] =	vst v16  }
.Ltmp0:
0x65: {  	v18 =	vld [tilespmem:s25+$0xE0];
	[tilespmem:s23+$0x100] =	vst v15;
	(pc) =	sbr.rel @p0 .LBB2_3-.Ltmp0, $4  }
0x66: {  	v15 =	vld [tilespmem:s25+$0x32F0];
	[tilespmem:s23+$0xF0] =	vst v19;
	s23 =	smov.u32 s25  }
0x67: {  	v17 =	vld [tilespmem:s23+$0xF0]  }
0x68: {  	v16 =	vld [tilespmem:s23+$0x100]  }
0x69: {  	v13 =	vadd.f32 v20, v13  }
0x6a: {  	v12 =	vadd.f32 v12, v18  }
0x6b: {  	v50 =	vmul.f32 v13, v13  }
0x6c: {  	v15 =	vadd.f32 v15, v17;
	v51 =	vadd.f32 v12, v13;
	v19 =	vmul.f32 v12, v12  }
0x6d: {  	v14 =	vadd.f32 v14, v16  }
0x6e: {  	v52 =	vadd.f32 v15, v51;
	v53 =	vadd.f32 v19, v50;
	v54 =	vmul.f32 v15, v15;
	_ =	sdelay $0x1  }
0x6f: {  	v55 =	vmul.f32 v14, v14;
	v16 =	vadd.f32 v14, v52;
	v17 =	vadd.f32 v54, v53;
	_ =	sdelay $0x1  }
0x70: {  	v56 =	vperm.xlane v16, v0;
	v17 =	vadd.f32 v55, v17;
	_ =	sdelay $0x1  }
0x71: {  	v16 =	vadd.f32 v16, v56;
	v57 =	vperm.xlane v17, v0;
	_ =	sdelay $0x1  }
0x72: {  	v58 =	vperm.xlane v16, v1;
	v17 =	vadd.f32 v57, v17;
	_ =	sdelay $0x1  }
0x73: {  	v16 =	vadd.f32 v16, v58;
	v18 =	vperm.xlane v17, v1;
	_ =	sdelay $0x1  }
0x74: {  	v19 =	vperm.xlane v16, v2;
	v17 =	vadd.f32 v18, v17;
	_ =	sdelay $0x1  }
0x75: {  	v16 =	vadd.f32 v16, v19;
	v18 =	vperm.xlane v17, v2;
	_ =	sdelay $0x1  }
0x76: {  	v19 =	vperm.xlane v16, v3;
	v17 =	vadd.f32 v18, v17;
	_ =	sdelay $0x1  }
0x77: {  	v16 =	vadd.f32 v16, v19;
	v18 =	vperm.xlane v17, v3;
	_ =	sdelay $0x1  }
0x78: {  	v16 =	vmul.f32 $1.562500000e-02, v16;
	v17 =	vadd.f32 v18, v17;
	_ =	sdelay $0x1  }
0x79: {  	v17 =	vmul.f32 $1.562500000e-02, v17;
	v59 =	vmul.f32 v16, v16;
	_ =	sdelay $0x1  }
0x7a: {  	v17 =	vsub.f32 v17, v59;
	_ =	sdelay $0x1  }
0x7b: {  	v17 =	vadd.f32 $9.999999960e-13, v17;
	_ =	sdelay $0x1  }
0x7c: {  	v60 =	vshrl.u32 v17, $0x1;
	v17 =	vmul.f32 $5.000000000e-01, v17  }
0x7d: {  	v18 =	vsub.s32 $0x5F3759DF, v60  }
0x7e: {  	v61 =	vmul.f32 v18, v17;
	_ =	sdelay $0x1  }
0x7f: {  	v19 =	vmul.f32 v18, v61;
	_ =	sdelay $0x1  }
0x80: {  	v19 =	vsub.f32 $1.500000000e+00, v19;
	_ =	sdelay $0x1  }
0x81: {  	v18 =	vmul.f32 v18, v19;
	_ =	sdelay $0x1  }
0x82: {  	v19 =	vmul.f32 v18, v17;
	_ =	sdelay $0x1  }
0x83: {  	v19 =	vmul.f32 v19, v18;
	_ =	sdelay $0x1  }
0x84: {  	v19 =	vsub.f32 $1.500000000e+00, v19;
	_ =	sdelay $0x1  }
0x85: {  	v18 =	vmul.f32 v19, v18;
	_ =	sdelay $0x1  }
0x86: {  	v17 =	vmul.f32 v18, v17;
	_ =	sdelay $0x1  }
0x87: {  	v17 =	vmul.f32 v17, v18;
	_ =	sdelay $0x1  }
0x88: {  	v17 =	vsub.f32 $1.500000000e+00, v17;
	_ =	sdelay $0x1  }
0x89: {  	v62 =	vsub.f32 v13, v16;
	v17 =	vmul.f32 v17, v18  }
0x8a: {  	v12 =	vsub.f32 v12, v16  }
0x8b: {  	v14 =	vsub.f32 v14, v16;
	v13 =	vmul.f32 v17, v62  }
0x8c: {  	v15 =	vsub.f32 v15, v16;
	v12 =	vmul.f32 v17, v12  }
0x8d: {  	v14 =	vmul.f32 v17, v14;
	v13 =	vmul.f32 v13, v4  }
0x8e: {  	v15 =	vmul.f32 v17, v15;
	v12 =	vmul.f32 v12, v5  }
0x8f: {  	v14 =	vmul.f32 v14, v7;
	v13 =	vadd.f32 v13, v8  }
0x90: {  	v15 =	vmul.f32 v15, v6;
	v12 =	vadd.f32 v12, v9  }
0x91: {  	v14 =	vadd.f32 v14, v11;
	[tilespmem:s23+$0xD0] =	vst v13  }
0x92: {  	s22 =	smul.u32 $0x640, s22;
	s21 =	sadd.s32 $0x1, s21;
	v63 =	vadd.f32 v15, v10;
	[tilespmem:s23+$0xE0] =	vst v12  }
0x93: {  	p0 =	sne.s32 s21, $0x20;
	[tilespmem:s23+$0x100] =	vst v14  }
.Ltmp1:
0x94: {  	s22 =	sadd.s32 s3, s22;
	[tilespmem:s23+$0xF0] =	vst v63;
	(pc) =	sbr.rel @p0 .LBB2_2-.Ltmp1, $4  }
0x95: {  	[hbm4b:s22+s4] =	stream.linear.scatter [tilespmem:s16], [sflag:$0x2], $0x3200, $0x38;
	[tilespmem:$0x6550] =	vst v63  }
0x96: {  	_ =	swait.ge [sflag:s12], $0x3200  }
0x97: {  	[sflag:s12] =	ssyncset.done $0x0  }
0x98: {  	[sflag:s12] =	ssyncadd.s32 $0xFFFFCE00  }
0x99: {  	s20 =	sadd.s32 $0x1, s20  }
0x9a: {  	p0 =	sne.s32 s20, s10  }
.Ltmp2:
0x9b: {  	_ = 	snop;
	(pc) =	sbr.rel @p0 .LBB2_1-.Ltmp2, $1  }
0x9c: {  	_ =	sdelay $0x3  }
0x9d: {  	_ =	sfence.sel $0x180000  }
0x9e: {  	[bflag:$0x0] =	sbarrier.arrive $0xFFFF  }
0x9f: {  	p0 =	sne.s32 s7, $0x0;
	_ =	strace $0x90000047  }
0xa0: {  	s0 =	sadd.s32 @!p0 $0x100000, s2;
	[bflag:$0x2] =	sbarrier.arrive $0xFFFF  }
0xa1: {  	[sflag:s0] =	ssyncadd.tile.s32 @!p0 $0x1;
	_ =	shalt  }
.Lfunc_end2:
_tile_overlayer_lowered:
.L_overlay_start_2:
0xa2: {  	(tag) =	ssettag $0x2  }
0xa3: {  	s0 =	rddreg [dreg:$0x0];
	s2 =	stileid.u32  }
0xa4: {  	s1 =	rddreg [dreg:$0x1];
	p0 =	sne.s32 s2, $0x0  }
0xa5: {  	s3 =	rddreg [dreg:$0x2];
	[bflag:$0x3] =	sbarrier.arrive $0xFFFF;
	s2 =	simm.s32 @!p0 $0x1C02  }
0xa6: {  	[timem:s3], [sflag:s2] =	dma.local @!p0 [hbm:s0], s1  }
0xa7: {  	s0 =	simm.s32 @!p0 $0x2  }
0xa8: {  	_ =	swait.ge @!p0 [sflag:s0], s1  }
0xa9: {  	s1 =	ssub.s32 @!p0 $0x0, s1;
	[sflag:s0] =	ssyncset.done @!p0 $0x0  }
0xaa: {  	[sflag:s0] =	ssyncadd.s32 @!p0 s1  }
0xab: {  	[bflag:$0x3] =	sbarrier.arrive $0xFFFF  }
0xac: {  	_ =	shalt  }

// kernel: sparse-core-data-format-call.cloned.1.call-start
scs
called_computation_lowered:
.L_overlay_start_0:
0x0: {  	s2 =	sld [smem:$0x3FD9]  }
0x1: {  	s3 =	sld [smem:$0x3FFE];
	_ =	sdelay $0x1  }
0x2: {  	s1 =	srdreg.scid  }
0x3: {  	s0 =	sand.u32 $0x1, s1  }
0x4: {  	s18 =	sshll.u32 s0, $0xA;
	s2 =	sadd.s32 s3, s2  }
0x5: {  	s2 =	sadd.s32 s2, s18  }
0x6: {  	[smem:$0x3FC3] =	sst s2  }
0x7: {  	_ = 	snop  }
0x8: {  	s2 =	sld [smem:$0x3FD0];
	(tm) =	ssettm $0x1  }
0x9: {  	s19 =	sld [smem:$0x3FFB];
	_ =	sdelay $0x3  }
0xa: {  	_ =	strace s19  }
0xb: {  	s3 =	sld [smem:$0x3FFC];
	_ =	sdelay $0x3  }
0xc: {  	_ =	strace s3  }
0xd: {  	s3 =	sld [smem:$0x3FFD];
	_ =	sdelay $0x3  }
0xe: {  	_ =	strace s3  }
0xf: {  	_ =	strace $0x8FFFFFFF  }
0x10: {  	s20 =	sld [smem:$0x3FDB];
	_ =	sdelay $0x1  }
0x11: {  	s4 =	simm.s32 $_scs_section_size  }
0x12: {  	s5 =	simm.s32 $_size__tile_overlayer_lowered;
	s6 =	simm.s32 $_tile_overlayer_lowered  }
0x13: {  	s23 =	simm.s32 $0x1BFF;
	s22 =	sshll.u32 s6, $0x1;
	s3 =	sadd.s32 s4, s20  }
0x14: {  	s7 =	simm.s32 $0x0;
	s21 =	sshll.u32 s5, $0x1;
	s5 =	sadd.s32 s22, s3  }
0x15: {  	[timem:s7], [sflag:s23] =	dma.local [hbm:s5], s21  }
0x16: {  	_ =	swait.ge [sflag:s23], s21  }
0x17: {  	s4 =	ssub.s32 $0x0, s21;
	[sflag:s23] =	ssyncset.done $0x0  }
0x18: {  	[sflag:s23] =	ssyncadd.s32 s4;
	_ =	sdelay $0x1  }
0x19: {  	s24 =	simm.s32 $0x1B8B  }
0x1a: {  	_ =	swait.ge [sflag:s24], $0x1  }
0x1b: {  	[sflag:s24] =	ssyncset.done $0x0  }
0x1c: {  	s26 =	simm.s32 $0x1B8E;
	s25 =	sld [smem:$0x3FFE];
	[sflag:s24] =	ssyncadd.s32 $0xFFFFFFFF  }
0x1d: {  	s27 =	simm.s32 $execute0_lowered;
	[smem:$0x3FD2] =	sst s26  }
0x1e: {  	s5 =	sshll.u32 s27, $0x1;
	_ =	strace $0x80000049;
	[dreg:$0x1] =	wrdreg $0xFFFFFFFF  }
0x1f: {  	s28 =	simm.s32 $_size_execute0_lowered;
	s3 =	sadd.s32 s3, s5;
	[dreg:$0x0] =	wrdreg $0x0  }
0x20: {  	s5 =	sshll.u32 s28, $0x1;
	[dreg:$0x2] =	wrdreg s3  }
0x21: {  	[dreg:$0x3] =	wrdreg s5  }
0x22: {  	[dreg:$0x4] =	wrdreg $0xC0  }
0x23: {  	_ =	task [dreg:s7], $0x5FFFF  }
0x24: {  	[dreg:$0x1] =	wrdreg $0xFFFFFFFF  }
0x25: {  	[dreg:$0x0] =	wrdreg $0x60  }
0x26: {  	[dreg:$0x2] =	wrdreg s25  }
0x27: {  	[dreg:$0x3] =	wrdreg s2  }
0x28: {  	[dreg:$0x4] =	wrdreg $0x9  }
0x29: {  	_ =	task.clear_ibuf [dreg:s7], $0x5FFFF;
	_ =	strace $0x90000049  }
0x2a: {  	s29 =	simm.s32 $0x9;
	_ =	strace $0x8000004B  }
0x2b: {  	_ =	swait.ge [sflag:s29], $0x1  }
0x2c: {  	[sflag:s29] =	ssyncadd.s32 $0xFFFFFFFF  }
0x2d: {  	_ =	strace $0x9000004B  }
0x2e: {  	_ =	sfence  }
0x2f: {  	s30 =	sld [smem:$0x0];
	_ =	sdelay $0x2  }
0x30: {  	s31 =	sshll.u32 s1, $0xD;
	s1 =	sshrl.u32 s1, $0x2  }
0x31: {  	s3 =	sand.u32 $0x4000, s31;
	s1 =	sadd.s32 s1, s30  }
0x32: {  	s0 =	sor.u32 s3, s0;
	s1 =	sshll.u32 s1, $0x11  }
0x33: {  	s0 =	sor.u32 s1, s0  }
0x34: {  	s0 =	sadd.s32 $0x8F2B, s0  }
0x35: {  	[sflag:s0] =	ssyncadd.remote.s32 $0x1  }
0x36: {  	_ =	sfence.sel $0xFFFF  }
0x37: {  	[dreg:$0x0] =	wrdreg $0xFFFFFFFF;
	(pc) =	sbr.abs _section_cstart, $3  }
0x38: {  	[dreg:$0x1] =	wrdreg $0xFFFFFFFF  }
0x39: {  	_ =	task.clear_ibuf [dreg:s7], $0x2FFFF;
	_ =	strace $0x9FFFFFFF  }
0x3a: {  	(tm) =	ssettm $0x7FFFFFFF  }
0x3b: {  	_ =	shalt  }
tec
execute0_lowered:
.L_overlay_start_1:
0x0: {  	(tag) =	ssettag $0x1  }
0x1: {  	s0 =	stileid.u32;
	s6 =	rddreg [dreg:$0x0]  }
0x2: {  	s2 =	rddreg [dreg:$0x1];
	s5 =	srdreg.scid  }
0x3: {  	s31 =	simm.s32 $0x2;
	s13 =	simm.s32 $0x0;
	s1 =	sshll.u32 s0, $0x7  }
0x4: {  	s14 =	simm.s32 $0x0;
	s12 =	simm.s32 $0x0;
	s3 =	sand.u32 $0x380, s1  }
0x5: {  	s5 =	sshll.u32 s5, $0x4;
	s6 =	sadd.s32 $0xC00, s6;
	s4 =	ssub.s32 $0x400, s3  }
0x6: {  	s1 =	rddreg [dreg:$0x2];
	_ =	strace $0x8000004A;
	s7 =	sand.u32 $0x380, s4  }
0x7: {  	s5 =	sand.u32 $0x10, s5;
	p0 =	sne.s32 s7, $0x0;
	s7 =	simm.s32 $0x1  }
.Ltmp0:
0x8: {  	s8 =	sshrl.u32 s4, $0xA;
	s7 =	simm.s32 @!p0 $0x0;
	(pc) =	sbr.rel .LBB1_1-.Ltmp0, $4  }
0x9: {  	s9 =	sor.u32 s0, s5;
	s4 =	simm.s32 $0x1;
	s30 =	sadd.s32 s7, s8  }
0xa: {  	s11 =	smov.u32 s3;
	[sflag:s4] =	ssyncpa.u1 $0x0;
	s5 =	smul.u32 $0x32, s30  }
0xb: {  	[sflag:s31] =	ssyncpa.u1 $0x0;
	p0 =	por $0x0, $0x0;
	s7 =	sshrl.u32 s9, $0x3  }
0xc: {  	s9 =	simm.s32 $0x2000;
	s10 =	smov.u32 s7;
	s8 =	sor.u32 $0x1, s5  }
.LBB1_4:
0xd: {  	s17 =	sand.u32 $0x1F80, s14;
	s13 =	sshll.u32 s13, $0xD  }
0xe: {  	[tilespmem:s16+$0x810 ss:$0x81] =	vst.msk $0xffff, v2;
	s18 =	sshrl.u32 s14, $0x3;
	s31 =	sand.u32 $0x7, s14;
	s17 =	sadd.s32 s2, s17  }
0xf: {  	[tilespmem:s16+$0x1020 ss:$0x81] =	vst.msk $0xffff, v0;
	s18 =	sand.u32 $0xF, s18;
	s14 =	sshll.u32 s31, $0x12;
	s13 =	sadd.s32 s13, s17  }
0x10: {  	[tilespmem:s16+$0x0 ss:$0x81] =	vst.msk $0xffff, v1;
	s14 =	sor.u32 $0x400, s14;
	s13 =	sadd.s32 s18, s13  }
0x11: {  	[hbm4b:s13+s14] =	stream.strided.scatter [tilespmem:s15], [sflag:$0x2], $0x2000, s9, s14, $0x20;
	[tilespmem:$0x8080] =	vst v63  }
.LBB1_5:
0x12: {  	s15 =	sadd.s32 $0x4, s10  }
0x13: {  	s13 =	sadd.s32 $0x400, s11;
	s17 =	smov.u32 s11;
	p2 =	sgt.s32 s15, $0xC7  }
0x14: {  	s17 =	smov.u32 @p2 s13  }
0x15: {  	s15 =	smov.u32 @p2 s7;
	p2 =	sgt.s32 s17, $0x3FF  }
0x16: {  	s17 =	smov.u32 @p2 s3;
	p2 =	sne.s32 s12, s8  }
.Ltmp1:
0x17: {  	p1 =	slt.u32 s12, $0x2;
	(pc) =	sbr.rel @!p2 .LBB1_6-.Ltmp1, $4  }
0x18: {  	s16 =	simm.s32 @!p1 $0x2  }
0x19: {  	s14 =	smov.u32 s11;
	p0 =	por !p0, !p0;
	_ =	swait.ge @!p1 [sflag:s16], $0x2000  }
0x1a: {  	s13 =	smov.u32 s10;
	[sflag:s16] =	ssyncset.done @!p1 $0x0;
	s10 =	smov.u32 s15  }
0x1b: {  	s12 =	sadd.s32 $0x1, s12;
	[sflag:s16] =	ssyncadd.s32 @!p1 $0xFFFFE000;
	s11 =	smov.u32 s17  }
.LBB1_1:
0x1c: {  	p1 =	sge.u32 s12, s5  }
0x1d: {  	s15 =	sand.u32 @!p1 $0x1FFFFFF, s10  }
0x1e: {  	s16 =	smulhi.u32 @!p1 $0x147AE15, s15;
	_ =	sdelay $0x1  }
0x1f: {  	s16 =	smul.u32 @!p1 $0xC8, s16  }
0x20: {  	s17 =	sxor.u32 @!p1 $0xFFFFFFFF, s12;
	s18 =	smul.u32 @!p1 $0xC80, s11  }
0x21: {  	s31 =	sadd.s32 $0xFFFFFFFF, s12;
	s17 =	sshll.u32 @!p1 s17, $0xD;
	s15 =	ssub.s32 @!p1 s15, s16  }
0x22: {  	s16 =	sand.u32 @!p1 $0x2000, s17;
	s17 =	sadd.s32 @!p1 s6, s18;
	s15 =	sshll.u32 @!p1 s15, $0x4  }
0x23: {  	s18 =	simm.s32 @!p1 $0x6400;
	s15 =	sadd.s32 @!p1 s15, s17;
	s17 =	simm.s32 @!p1 $0x40  }
0x24: {  	[tilespmem:s16], [sflag:$0x1] =	stream.strided.gather @!p1 [hbm4b:s15+s17], $0x2000, s18, s17, $0x38;
	[tilespmem:$0x8080] =	vst v63  }
0x25: {  	p1 =	sge.u32 s31, s5  }
.Ltmp2:
0x26: {  	_ = 	snop;
	(pc) =	sbr.rel @p1 .LBB1_5-.Ltmp2, $1  }
0x27: {  	_ =	sdelay $0x3  }
0x28: {  	s15 =	simm.s32 $0x1  }
0x29: {  	_ =	swait.ge [sflag:s4], $0x2000;
	s15 =	simm.s32 @!p0 $0x0  }
0x2a: {  	[sflag:s4] =	ssyncset.done $0x0;
	s16 =	sshll.u32 s15, $0xD  }
0x2b: {  	[sflag:s4] =	ssyncadd.s32 $0xFFFFE000;
	s19 =	sor.u32 $0x20, s16  }
0x2c: {  	s15 =	smul.u32 $0x8100, s15;
	v3 =	vld [tilespmem:s19+$0x10]  }
0x2d: {  	s30 =	sand.u32 $0x1, s12;
	v2 =	vld [tilespmem:s19+$0xFFFFFFF0]  }
0x2e: {  	s16 =	smul.u32 $0x8100, s30;
	s15 =	sshrl.u32 s15, $0x2;
	v0 =	vld [tilespmem:s19+$0x0]  }
0x2f: {  	v1 =	vld [tilespmem:s19+$0xFFFFFFE0];
	s17 =	sor.u32 $0x4000, s15  }
0x30: {  	s31 =	sshrl.u32 s16, $0x2;
	s16 =	sadd.s32 $0x0, s17  }
0x31: {  	s18 =	simm.s32 $0x4;
	s19 =	sadd.s32 $0x40, s19;
	s15 =	sor.u32 $0x4000, s31;
	[tilespmem:s16+$0x1830 ss:$0x81] =	vst.msk $0xffff, v3  }
.LBB1_3:
0x32: {  	v3 =	vld [tilespmem:s19+$0x10];
	p1 =	sne.s32 s18, $0x1FC;
	[tilespmem:s16+$0x810 ss:$0x81] =	vst.msk $0xffff, v2;
	s20 =	smov.u32 s18;
	s18 =	sadd.s32 $0x4, s18  }
.Ltmp3:
0x33: {  	v2 =	vld [tilespmem:s19+$0xFFFFFFF0];
	[tilespmem:s16+$0x1020 ss:$0x81] =	vst.msk $0xffff, v0;
	(pc) =	sbr.rel @p1 .LBB1_3-.Ltmp3, $4  }
0x34: {  	v0 =	vld [tilespmem:s19+$0x0];
	[tilespmem:s16+$0x0 ss:$0x81] =	vst.msk $0xffff, v1  }
0x35: {  	s16 =	sshra.s32 s20, $0x2;
	v1 =	vld [tilespmem:s19+$0xFFFFFFE0]  }
0x36: {  	s16 =	sadd.s32 s16, s17  }
0x37: {  	s19 =	sadd.s32 $0x40, s19;
	[tilespmem:s16+$0x1830 ss:$0x81] =	vst.msk $0xffff, v3  }
.Ltmp4:
0x38: {  	_ = 	snop;
	(pc) =	sbr.rel .LBB1_4-.Ltmp4, $1  }
0x39: {  	_ =	sdelay $0x3  }
.LBB1_6:
0x3a: {  	_ =	sfence.sel $0x180000  }
0x3b: {  	s2 =	simm.s32 $0x1;
	[bflag:$0x0] =	sbarrier.arrive $0xFFFF  }
0x3c: {  	s31 =	simm.s32 $0x2;
	[sflag:s2] =	ssyncpa.u1 $0x1  }
0x3d: {  	[sflag:s31] =	ssyncpa.u1 $0x1  }
0x3e: {  	p0 =	sne.s32 s0, $0x0;
	_ =	strace $0x9000004A  }
0x3f: {  	s0 =	sadd.s32 @!p0 $0x100000, s1;
	[bflag:$0x2] =	sbarrier.arrive $0xFFFF  }
0x40: {  	[sflag:s0] =	ssyncadd.tile.s32 @!p0 $0x1;
	_ =	shalt  }
.Lfunc_end1:
_tile_overlayer_lowered:
.L_overlay_start_2:
0x41: {  	(tag) =	ssettag $0x2  }
0x42: {  	s0 =	rddreg [dreg:$0x0];
	s2 =	stileid.u32  }
0x43: {  	s1 =	rddreg [dreg:$0x1];
	p0 =	sne.s32 s2, $0x0  }
0x44: {  	s3 =	rddreg [dreg:$0x2];
	[bflag:$0x3] =	sbarrier.arrive $0xFFFF;
	s2 =	simm.s32 @!p0 $0x1C01  }
0x45: {  	[timem:s3], [sflag:s2] =	dma.local @!p0 [hbm:s0], s1  }
0x46: {  	s0 =	simm.s32 @!p0 $0x1  }
0x47: {  	_ =	swait.ge @!p0 [sflag:s0], s1  }
0x48: {  	s1 =	ssub.s32 @!p0 $0x0, s1;
	[sflag:s0] =	ssyncset.done @!p0 $0x0  }
0x49: {  	[sflag:s0] =	ssyncadd.s32 @!p0 s1  }
0x4a: {  	[bflag:$0x3] =	sbarrier.arrive $0xFFFF  }
0x4b: {  	_ =	shalt  }

</sc_bundles>
